<compile_context>
chip_gen: v7x
topology: tpu7x:2x2x1
jax: 0.10.2.dev20260603
libtpu: 0.0.44.dev20260713+nightly
codegen_flags: <defaults>
</compile_context>

<pallas_src>
import functools

import jax
import jax.numpy as jnp
from jax import lax
from jax.experimental import pallas as pl
from jax.experimental.pallas import tpu as pltpu
from jax.experimental.pallas import tpu_sc as plsc

N_NODES_C = 50000
N_EDGES_C = 800000
EMB_C = 64
MSG_C = 128
EEMB_C = 32
NTOK_C = 32
NET_C = 16
NCOMBO = NTOK_C * NET_C

NW = 32
NODES_PER_TILE = 224
NODES_PER_PASS = NODES_PER_TILE * NW
N_PASSES = 7
N_PAD = NODES_PER_PASS * N_PASSES
HIST_ROWS = NODES_PER_TILE * NCOMBO // 16
KEY_CHUNK = 16000
B_CHUNK = 3200
B_NCHUNK = N_EDGES_C // B_CHUNK


def _mlp_table_kernel(x_ref, w1_ref, b1_ref, w2_ref, b2_ref, o_ref):
    h = jnp.maximum(
        jnp.dot(x_ref[...], w1_ref[...], preferred_element_type=jnp.float32)
        + b1_ref[...], 0.0)
    o_ref[...] = (
        jnp.dot(h, w2_ref[...], preferred_element_type=jnp.float32)
        + b2_ref[...])


def _msg_table(x, w1, b1, w2, b2):
    return pl.pallas_call(
        _mlp_table_kernel,
        out_shape=jax.ShapeDtypeStruct((NCOMBO, MSG_C), jnp.float32),
    )(x, w1, b1.reshape(1, -1), w2, b2.reshape(1, -1))


def _key_kernel(src_hbm, dst_hbm, et_hbm, nid_hbm, key_hbm,
                nid_v, src_v, dst_v, et_v, key_v):
    wid = lax.axis_index("s") * 2 + lax.axis_index("c")
    pltpu.sync_copy(nid_hbm, nid_v)

    def chunk_body(c, carry):
        base = c * B_CHUNK
        pltpu.sync_copy(src_hbm.at[pl.ds(base, B_CHUNK)], src_v)
        pltpu.sync_copy(dst_hbm.at[pl.ds(base, B_CHUNK)], dst_v)
        pltpu.sync_copy(et_hbm.at[pl.ds(base, B_CHUNK)], et_v)

        def vec_body(j, carry2):
            s = src_v[pl.ds(j * 16, 16)]
            tok = plsc.load_gather(nid_v, [s])
            key_v[pl.ds(j * 16, 16)] = (
                dst_v[pl.ds(j * 16, 16)] * 512 + tok * 16
                + et_v[pl.ds(j * 16, 16)])
            return carry2

        lax.fori_loop(0, B_CHUNK // 16, vec_body, 0)
        pltpu.sync_copy(key_v, key_hbm.at[pl.ds(base, B_CHUNK)])
        return carry

    lax.fori_loop(0, (B_NCHUNK - wid + NW - 1) // NW,
                  lambda i, c: chunk_body(wid + i * NW, c), 0)


def _make_key_kernel():
    mesh = plsc.VectorSubcoreMesh(core_axis_name="c", subcore_axis_name="s")
    return functools.partial(
        pl.kernel,
        mesh=mesh,
        out_type=jax.ShapeDtypeStruct((N_EDGES_C,), jnp.int32),
        scratch_types=[
            pltpu.VMEM((N_NODES_C,), jnp.int32),
            pltpu.VMEM((B_CHUNK,), jnp.int32),
            pltpu.VMEM((B_CHUNK,), jnp.int32),
            pltpu.VMEM((B_CHUNK,), jnp.int32),
            pltpu.VMEM((B_CHUNK,), jnp.int32),
        ],
        compiler_params=pltpu.CompilerParams(needs_layout_passes=False, use_tc_tiling_on_sc=False),
    )(_key_kernel)


def _hist_kernel(key_hbm, h_hbm, hist_v, key_v):
    wid = lax.axis_index("s") * 2 + lax.axis_index("c")
    ones = jnp.full((16,), 1.0, jnp.float32)
    zeros = jnp.zeros((16,), jnp.float32)

    def one_pass(p, carry):
        lo512 = (p * NW + wid) * NODES_PER_TILE * 512

        def zero_body(j, c2):
            hist_v[j] = zeros
            return c2

        lax.fori_loop(0, HIST_ROWS, zero_body, 0)

        def chunk_body(c, c2):
            pltpu.sync_copy(key_hbm.at[pl.ds(c * KEY_CHUNK, KEY_CHUNK)],
                            key_v)

            @plsc.parallel_loop(0, KEY_CHUNK // 16, unroll=8)
            def vec_body(j):
                rel = key_v[pl.ds(j * 16, 16)] - lo512
                msk = (rel >= 0) & (rel < NODES_PER_TILE * 512)
                row = lax.shift_right_logical(rel, 4)
                col = rel & 15
                plsc.addupdate_scatter(hist_v, [row, col], ones, mask=msk)

            return c2

        lax.fori_loop(0, N_EDGES_C // KEY_CHUNK, chunk_body, 0)
        out_row = (p * NW + wid) * HIST_ROWS
        pltpu.sync_copy(hist_v, h_hbm.at[pl.ds(out_row, HIST_ROWS)])
        return carry

    lax.fori_loop(0, N_PASSES, one_pass, 0)


def _make_hist_kernel():
    mesh = plsc.VectorSubcoreMesh(core_axis_name="c", subcore_axis_name="s")
    return functools.partial(
        pl.kernel,
        mesh=mesh,
        out_type=jax.ShapeDtypeStruct((N_PAD * 32, 16), jnp.float32),
        scratch_types=[
            pltpu.VMEM((HIST_ROWS, 16), jnp.float32),
            pltpu.VMEM((KEY_CHUNK,), jnp.int32),
        ],
        compiler_params=pltpu.CompilerParams(needs_layout_passes=False, use_tc_tiling_on_sc=False),
    )(_hist_kernel)


def _merge_kernel(h_ref, nid_ref, m_ref, temb_ref,
                  wir_ref, wiz_ref, win_ref, bir_ref, biz_ref, bin_ref,
                  whr_ref, whz_ref, whn_ref, bhr_ref, bhz_ref, bhn_ref,
                  ws_ref, bs_ref, o_ref):
    hmat = h_ref[...]
    cnt = jnp.sum(hmat, axis=1, keepdims=True)
    msum = jnp.dot(hmat, m_ref[...], preferred_element_type=jnp.float32)
    magg = msum / jnp.maximum(cnt, 1.0)

    nid = nid_ref[0]
    onehot = (nid == lax.broadcasted_iota(
        jnp.int32, (nid.shape[0], NTOK_C), 1)).astype(jnp.float32)
    h = jnp.dot(onehot, temb_ref[...], preferred_element_type=jnp.float32)

    def gi(w_ref, b_ref):
        return jnp.dot(magg, w_ref[...],
                       preferred_element_type=jnp.float32) + b_ref[...]

    def gh(w_ref, b_ref):
        return jnp.dot(h, w_ref[...],
                       preferred_element_type=jnp.float32) + b_ref[...]

    r = jax.nn.sigmoid(gi(wir_ref, bir_ref) + gh(whr_ref, bhr_ref))
    z = jax.nn.sigmoid(gi(wiz_ref, biz_ref) + gh(whz_ref, bhz_ref))
    n = jnp.tanh(gi(win_ref, bin_ref) + r * gh(whn_ref, bhn_ref))
    h_new = (1.0 - z) * n + z * h

    logit = jnp.sum(h_new * ws_ref[...], axis=1, keepdims=True) + bs_ref[...]
    o_ref[0] = logit


def _merge(h_mat, node_ids3, m_tab, token_emb, w_ih, b_ih, w_hh, b_hh,
           w_score, b_score):
    bn = 2000
    nblk = N_NODES_C // bn
    full = lambda i: (0, 0)
    wi = [w_ih[:, k * EMB_C:(k + 1) * EMB_C] for k in range(3)]
    bi = [b_ih[k * EMB_C:(k + 1) * EMB_C].reshape(1, -1) for k in range(3)]
    wh = [w_hh[:, k * EMB_C:(k + 1) * EMB_C] for k in range(3)]
    bh = [b_hh[k * EMB_C:(k + 1) * EMB_C].reshape(1, -1) for k in range(3)]
    out = pl.pallas_call(
        _merge_kernel,
        grid=(nblk,),
        in_specs=[
            pl.BlockSpec((bn, NCOMBO), lambda i: (i, 0)),
            pl.BlockSpec((1, bn, 1), lambda i: (i, 0, 0)),
            pl.BlockSpec((NCOMBO, MSG_C), full),
            pl.BlockSpec((NTOK_C, EMB_C), full),
            pl.BlockSpec((MSG_C, EMB_C), full),
            pl.BlockSpec((MSG_C, EMB_C), full),
            pl.BlockSpec((MSG_C, EMB_C), full),
            pl.BlockSpec((1, EMB_C), full),
            pl.BlockSpec((1, EMB_C), full),
            pl.BlockSpec((1, EMB_C), full),
            pl.BlockSpec((EMB_C, EMB_C), full),
            pl.BlockSpec((EMB_C, EMB_C), full),
            pl.BlockSpec((EMB_C, EMB_C), full),
            pl.BlockSpec((1, EMB_C), full),
            pl.BlockSpec((1, EMB_C), full),
            pl.BlockSpec((1, EMB_C), full),
            pl.BlockSpec((1, EMB_C), full),
            pl.BlockSpec((1, 1), full),
        ],
        out_specs=pl.BlockSpec((1, bn, 1), lambda i: (i, 0, 0)),
        out_shape=jax.ShapeDtypeStruct((nblk, bn, 1), jnp.float32),
    )(h_mat, node_ids3, m_tab, token_emb,
      wi[0], wi[1], wi[2], bi[0], bi[1], bi[2],
      wh[0], wh[1], wh[2], bh[0], bh[1], bh[2],
      w_score.reshape(1, EMB_C), b_score.reshape(1, 1))
    return out.reshape(N_NODES_C)


@jax.jit
def kernel(node_ids, edge_index, edge_type, token_emb, edge_emb_table,
           W_msg1, b_msg1, W_msg2, b_msg2, W_ih, b_ih, W_hh, b_hh,
           W_score, b_score):
    node_ids = node_ids.astype(jnp.int32)
    src = edge_index[0].astype(jnp.int32)
    dst = edge_index[1].astype(jnp.int32)
    et = edge_type.astype(jnp.int32)

    x = jnp.concatenate(
        [jnp.repeat(token_emb, NET_C, axis=0),
         jnp.tile(edge_emb_table, (NTOK_C, 1))], axis=1)
    m_tab = _msg_table(x, W_msg1, b_msg1, W_msg2, b_msg2)

    key = _make_key_kernel()(src, dst, et, node_ids)

    h_raw = _make_hist_kernel()(key)
    h_mat = h_raw.reshape(N_PAD, NCOMBO)

    nid3 = node_ids.reshape(N_NODES_C // 2000, 2000, 1)
    return _merge(h_mat, nid3, m_tab, token_emb, W_ih, b_ih, W_hh, b_hh,
                  W_score, b_score)

# --- scband reference (transcript-rebuilt; emitter-appended) ---
"""Pipeline reference for scband-gnnmodel-24343874634462 (READ-ONLY COPY).

The authoritative reference and input builder live on the scoring server;
editing this copy changes nothing except your own understanding.
"""

import jax, jax.numpy as jnp
import numpy as np

N_NODES = 50000
N_EDGES = 800000
EMB = 64
MSG = 128
EDGE_EMB = 32
N_TOKENS = 32
N_EDGE_TYPES = 16


def setup_inputs(seed: int = 0) -> dict:
    key = jax.random.key(seed)
    ks = jax.random.split(key, 12)
    node_ids = jax.random.randint(ks[0], (N_NODES,), 0, N_TOKENS)
    edge_index = jax.random.randint(ks[1], (2, N_EDGES), 0, N_NODES)
    edge_type = jax.random.randint(ks[2], (N_EDGES,), 0, N_EDGE_TYPES)

    def nrm(k, shape, scale):
        return jax.random.normal(k, shape, dtype=jnp.float32) * scale

    token_emb = nrm(ks[3], (N_TOKENS, EMB), 1.0)
    edge_emb_table = nrm(ks[4], (N_EDGE_TYPES, EDGE_EMB), 1.0)
    W_msg1 = nrm(ks[5], (EMB + EDGE_EMB, MSG), (1.0 / (EMB + EDGE_EMB)) ** 0.5)
    b_msg1 = jnp.zeros((MSG,), jnp.float32)
    W_msg2 = nrm(ks[6], (MSG, MSG), (1.0 / MSG) ** 0.5)
    b_msg2 = jnp.zeros((MSG,), jnp.float32)
    W_ih = nrm(ks[7], (MSG, 3 * EMB), (1.0 / MSG) ** 0.5)
    b_ih = jnp.zeros((3 * EMB,), jnp.float32)
    W_hh = nrm(ks[8], (EMB, 3 * EMB), (1.0 / EMB) ** 0.5)
    b_hh = jnp.zeros((3 * EMB,), jnp.float32)
    W_score = nrm(ks[9], (EMB, 1), (1.0 / EMB) ** 0.5)
    b_score = jnp.zeros((1,), jnp.float32)
    return {
        "node_ids": node_ids,
        "edge_index": edge_index,
        "edge_type": edge_type,
        "token_emb": token_emb,
        "edge_emb_table": edge_emb_table,
        "W_msg1": W_msg1,
        "b_msg1": b_msg1,
        "W_msg2": W_msg2,
        "b_msg2": b_msg2,
        "W_ih": W_ih,
        "b_ih": b_ih,
        "W_hh": W_hh,
        "b_hh": b_hh,
        "W_score": W_score,
        "b_score": b_score,
    }


def reference(node_ids, edge_index, edge_type, token_emb, edge_emb_table,
              W_msg1, b_msg1, W_msg2, b_msg2, W_ih, b_ih, W_hh, b_hh,
              W_score, b_score):
    # init_const: embedding lookup for every node
    h = jnp.take(token_emb, node_ids, axis=0)  # [N, EMB]
    src = edge_index[0]
    dst = edge_index[1]
    # one message pass (num_passes=1)
    e = jnp.take(edge_emb_table, edge_type, axis=0)  # [E, EDGE_EMB]
    x = jnp.concatenate([jnp.take(h, src, axis=0), e], axis=1)  # [E, EMB+EDGE_EMB]
    # msg_fn_shared: MLP [96 -> 128 -> 128] with ReLU between layers
    m = jax.nn.relu(x @ W_msg1 + b_msg1)
    m = m @ W_msg2 + b_msg2  # [E, MSG]
    # merge by mean over incoming messages (get_merge_cat semantics)
    msum = jax.ops.segment_sum(m, dst, num_segments=N_NODES)
    cnt = jax.ops.segment_sum(jnp.ones((N_EDGES, 1), jnp.float32), dst,
                              num_segments=N_NODES)
    magg = msum / jnp.maximum(cnt, 1.0)  # [N, MSG]
    # GRUCell update: h' = GRU(magg, h)
    gi = magg @ W_ih + b_ih
    gh = h @ W_hh + b_hh
    i_r, i_z, i_n = jnp.split(gi, 3, axis=1)
    h_r, h_z, h_n = jnp.split(gh, 3, axis=1)
    r = jax.nn.sigmoid(i_r + h_r)
    z = jax.nn.sigmoid(i_z + h_z)
    n = jnp.tanh(i_n + r * h_n)
    h_new = (1.0 - z) * n + z * h  # [N, EMB]
    # score: MLP [EMB -> 1]
    logits = (h_new @ W_score + b_score).squeeze(-1)  # [N]
    return logits

if __name__ == "__main__":
    import jax
    _d = setup_inputs()
    print(jax.jit(kernel)(*tuple(_d.values())))

</pallas_src>

<mosaic_0001>
#map = affine_map<(d0, d1) -> (0)>
module attributes {stable_mosaic.version = 14 : i64} {
  func.func @_key_kernel(%arg0: i32, %arg1: i32, %arg2: memref<800000xi32, #tpu.memory_space<hbm>>, %arg3: memref<800000xi32, #tpu.memory_space<hbm>>, %arg4: memref<800000xi32, #tpu.memory_space<hbm>>, %arg5: memref<50000xi32, #tpu.memory_space<hbm>>, %arg6: memref<800000xi32, #tpu.memory_space<hbm>>, %arg7: memref<50000xi32, #tpu.memory_space<vmem>>, %arg8: memref<3200xi32, #tpu.memory_space<vmem>>, %arg9: memref<3200xi32, #tpu.memory_space<vmem>>, %arg10: memref<3200xi32, #tpu.memory_space<vmem>>, %arg11: memref<3200xi32, #tpu.memory_space<vmem>>) attributes {dimension_semantics = [#tpu.dimension_semantics<core_parallel>, #tpu.dimension_semantics<subcore_parallel>], iteration_bounds = array<i64: 2, 16>, scalar_prefetch = 0 : i64, scratch_operands = 5 : i64, tpu.core_type = #tpu.core_type<sc_vector_subcore>, window_params = [{transform_indices = #map}, {transform_indices = #map}, {transform_indices = #map}, {transform_indices = #map}, {transform_indices = #map}]} {
    %mul3A = arith.constant 2 : i32
    %mul3A_0 = arith.muli %arg1, %mul3A : i32
    %add3A = arith.addi %mul3A_0, %arg0 : i32
    "tpu.region"() ({
      %run_scoped3A = tpu.sem_alloc : memref<!tpu.dma_semaphore, #tpu.memory_space<semaphore_mem>>
      tpu.enqueue_dma source(%arg5 : memref<50000xi32, #tpu.memory_space<hbm>>) target(%arg7 : memref<50000xi32, #tpu.memory_space<vmem>>) target_semaphore(%run_scoped3A : memref<!tpu.dma_semaphore, #tpu.memory_space<semaphore_mem>>)
      tpu.wait_dma2 semaphore(%run_scoped3A : memref<!tpu.dma_semaphore, #tpu.memory_space<semaphore_mem>>) src(%arg5 : memref<50000xi32, #tpu.memory_space<hbm>>) dst(%arg7 : memref<50000xi32, #tpu.memory_space<vmem>>)
      tpu.yield
    }) : () -> ()
    %sub3A = arith.constant 250 : i32
    %sub3A_1 = arith.subi %sub3A, %add3A : i32
    %add3A_2 = arith.constant 32 : i32
    %add3A_3 = arith.addi %sub3A_1, %add3A_2 : i32
    %sub3A_4 = arith.constant 1 : i32
    %sub3A_5 = arith.subi %add3A_3, %sub3A_4 : i32
    %jit3A = arith.constant 32 : i32
    %div3A = arith.divsi %sub3A_5, %jit3A : i32
    %sign3A = arith.constant 0 : i32
    %sign3A_6 = arith.cmpi sgt, %sub3A_5, %sign3A : i32
    %sign3A_7 = arith.extui %sign3A_6 : i1 to i32
    %sign3A_8 = arith.constant 0 : i32
    %sign3A_9 = arith.cmpi slt, %sub3A_5, %sign3A_8 : i32
    %sign3A_10 = arith.extui %sign3A_9 : i1 to i32
    %sign3A_11 = arith.subi %sign3A_7, %sign3A_10 : i32
    %sign3A_12 = arith.constant 0 : i32
    %sign3A_13 = arith.cmpi sgt, %jit3A, %sign3A_12 : i32
    %sign3A_14 = arith.extui %sign3A_13 : i1 to i32
    %sign3A_15 = arith.constant 0 : i32
    %sign3A_16 = arith.cmpi slt, %jit3A, %sign3A_15 : i32
    %sign3A_17 = arith.extui %sign3A_16 : i1 to i32
    %sign3A_18 = arith.subi %sign3A_14, %sign3A_17 : i32
    %ne3A = arith.cmpi ne, %sign3A_11, %sign3A_18 : i32
    %rem3A = arith.remsi %sub3A_5, %jit3A : i32
    %ne3A_19 = arith.constant 0 : i32
    %ne3A_20 = arith.cmpi ne, %rem3A, %ne3A_19 : i32
    %and3A = arith.andi %ne3A, %ne3A_20 : i1
    %sub3A_21 = arith.constant 1 : i32
    %sub3A_22 = arith.subi %div3A, %sub3A_21 : i32
    %select_n3A = arith.select %and3A, %sub3A_22, %div3A : i32
    %while3A = arith.constant 0 : i32
    %while3A_23 = arith.constant 0 : i32
    %while3A_24 = arith.subi %select_n3A, %while3A_23 : i32
    %while3A_25 = arith.addi %while3A_23, %while3A_24 : i32
    %while3A_26 = arith.constant 1 : i32
    %while3A_27 = arith.divsi %while3A_24, %while3A_26 : i32
    %while3A_28 = arith.muli %while3A_27, %while3A_26 : i32
    %while3A_29 = arith.addi %while3A_23, %while3A_28 : i32
    %while3A_30 = arith.constant 1 : i32
    scf.for %while3A_32 = %while3A_23 to %while3A_29 step %while3A_30  : i32 {
      %mul3A_33 = arith.constant 32 : i32
      %mul3A_34 = arith.muli %while3A_32, %mul3A_33 : i32
      %add3A_35 = arith.addi %add3A, %mul3A_34 : i32
      %mul3A_36 = arith.constant 3200 : i32
      %mul3A_37 = arith.muli %add3A_35, %mul3A_36 : i32
      "tpu.region"() ({
        %run_scoped3A = tpu.sem_alloc : memref<!tpu.dma_semaphore, #tpu.memory_space<semaphore_mem>>
        %dma_start3A = tpu.memref_slice %arg2[%mul3A_37] : memref<800000xi32, #tpu.memory_space<hbm>> -> memref<3200xi32, #tpu.memory_space<hbm>>
        %dma_start3A_43 = tpu.memref_slice %arg2[%mul3A_37] : memref<800000xi32, #tpu.memory_space<hbm>> -> memref<3200xi32, #tpu.memory_space<hbm>>
        tpu.enqueue_dma source(%dma_start3A_43 : memref<3200xi32, #tpu.memory_space<hbm>>) target(%arg8 : memref<3200xi32, #tpu.memory_space<vmem>>) target_semaphore(%run_scoped3A : memref<!tpu.dma_semaphore, #tpu.memory_space<semaphore_mem>>)
        %dma_wait3A = tpu.memref_slice %arg2[%mul3A_37] : memref<800000xi32, #tpu.memory_space<hbm>> -> memref<3200xi32, #tpu.memory_space<hbm>>
        %dma_wait3A_44 = tpu.memref_slice %arg2[%mul3A_37] : memref<800000xi32, #tpu.memory_space<hbm>> -> memref<3200xi32, #tpu.memory_space<hbm>>
        tpu.wait_dma2 semaphore(%run_scoped3A : memref<!tpu.dma_semaphore, #tpu.memory_space<semaphore_mem>>) src(%dma_wait3A_44 : memref<3200xi32, #tpu.memory_space<hbm>>) dst(%arg8 : memref<3200xi32, #tpu.memory_space<vmem>>)
        tpu.yield
      }) : () -> ()
      "tpu.region"() ({
        %run_scoped3A = tpu.sem_alloc : memref<!tpu.dma_semaphore, #tpu.memory_space<semaphore_mem>>
        %dma_start3A = tpu.memref_slice %arg3[%mul3A_37] : memref<800000xi32, #tpu.memory_space<hbm>> -> memref<3200xi32, #tpu.memory_space<hbm>>
        %dma_start3A_43 = tpu.memref_slice %arg3[%mul3A_37] : memref<800000xi32, #tpu.memory_space<hbm>> -> memref<3200xi32, #tpu.memory_space<hbm>>
        tpu.enqueue_dma source(%dma_start3A_43 : memref<3200xi32, #tpu.memory_space<hbm>>) target(%arg9 : memref<3200xi32, #tpu.memory_space<vmem>>) target_semaphore(%run_scoped3A : memref<!tpu.dma_semaphore, #tpu.memory_space<semaphore_mem>>)
        %dma_wait3A = tpu.memref_slice %arg3[%mul3A_37] : memref<800000xi32, #tpu.memory_space<hbm>> -> memref<3200xi32, #tpu.memory_space<hbm>>
        %dma_wait3A_44 = tpu.memref_slice %arg3[%mul3A_37] : memref<800000xi32, #tpu.memory_space<hbm>> -> memref<3200xi32, #tpu.memory_space<hbm>>
        tpu.wait_dma2 semaphore(%run_scoped3A : memref<!tpu.dma_semaphore, #tpu.memory_space<semaphore_mem>>) src(%dma_wait3A_44 : memref<3200xi32, #tpu.memory_space<hbm>>) dst(%arg9 : memref<3200xi32, #tpu.memory_space<vmem>>)
        tpu.yield
      }) : () -> ()
      "tpu.region"() ({
        %run_scoped3A = tpu.sem_alloc : memref<!tpu.dma_semaphore, #tpu.memory_space<semaphore_mem>>
        %dma_start3A = tpu.memref_slice %arg4[%mul3A_37] : memref<800000xi32, #tpu.memory_space<hbm>> -> memref<3200xi32, #tpu.memory_space<hbm>>
        %dma_start3A_43 = tpu.memref_slice %arg4[%mul3A_37] : memref<800000xi32, #tpu.memory_space<hbm>> -> memref<3200xi32, #tpu.memory_space<hbm>>
        tpu.enqueue_dma source(%dma_start3A_43 : memref<3200xi32, #tpu.memory_space<hbm>>) target(%arg10 : memref<3200xi32, #tpu.memory_space<vmem>>) target_semaphore(%run_scoped3A : memref<!tpu.dma_semaphore, #tpu.memory_space<semaphore_mem>>)
        %dma_wait3A = tpu.memref_slice %arg4[%mul3A_37] : memref<800000xi32, #tpu.memory_space<hbm>> -> memref<3200xi32, #tpu.memory_space<hbm>>
        %dma_wait3A_44 = tpu.memref_slice %arg4[%mul3A_37] : memref<800000xi32, #tpu.memory_space<hbm>> -> memref<3200xi32, #tpu.memory_space<hbm>>
        tpu.wait_dma2 semaphore(%run_scoped3A : memref<!tpu.dma_semaphore, #tpu.memory_space<semaphore_mem>>) src(%dma_wait3A_44 : memref<3200xi32, #tpu.memory_space<hbm>>) dst(%arg10 : memref<3200xi32, #tpu.memory_space<vmem>>)
        tpu.yield
      }) : () -> ()
      %scan3A = arith.constant 0 : i32
      %scan3A_38 = arith.constant 0 : i32
      %scan3A_39 = arith.constant 200 : i32
      %scan3A_40 = arith.addi %scan3A_38, %scan3A_39 : i32
      %scan3A_41 = arith.constant 1 : i32
      scf.for %scan3A_43 = %scan3A_38 to %scan3A_40 step %scan3A_41  : i32 {
        %mul3A_44 = arith.constant 16 : i32
        %mul3A_45 = arith.muli %scan3A_43, %mul3A_44 : i32
        %get3A = arith.index_cast %mul3A_45 : i32 to index
        %get3A_46 = tpu.vector_load %arg8[%get3A] {strides = array<i32>} : memref<3200xi32, #tpu.memory_space<vmem>>, vector<16xi32>,
        %gather3A = tpu.vector_load_idx %arg7[%get3A_46] : memref<50000xi32, #tpu.memory_space<vmem>>[vector<16xi32>], vector<16xi32>,
        %mul3A_47 = arith.constant 16 : i32
        %mul3A_48 = arith.muli %scan3A_43, %mul3A_47 : i32
        %get3A_49 = arith.index_cast %mul3A_48 : i32 to index
        %get3A_50 = tpu.vector_load %arg9[%get3A_49] {strides = array<i32>} : memref<3200xi32, #tpu.memory_space<vmem>>, vector<16xi32>,
        %mul3A_51 = arith.constant 512 : i32
        %mul3A_52 = vector.broadcast %mul3A_51 : i32 to vector<16xi32>
        %mul3A_53 = arith.muli %get3A_50, %mul3A_52 : vector<16xi32>
        %mul3A_54 = arith.constant 16 : i32
        %mul3A_55 = vector.broadcast %mul3A_54 : i32 to vector<16xi32>
        %mul3A_56 = arith.muli %gather3A, %mul3A_55 : vector<16xi32>
        %add3A_57 = arith.addi %mul3A_53, %mul3A_56 : vector<16xi32>
        %mul3A_58 = arith.constant 16 : i32
        %mul3A_59 = arith.muli %scan3A_43, %mul3A_58 : i32
        %get3A_60 = arith.index_cast %mul3A_59 : i32 to index
        %get3A_61 = tpu.vector_load %arg10[%get3A_60] {strides = array<i32>} : memref<3200xi32, #tpu.memory_space<vmem>>, vector<16xi32>,
        %add3A_62 = arith.addi %add3A_57, %get3A_61 : vector<16xi32>
        %mul3A_63 = arith.constant 16 : i32
        %mul3A_64 = arith.muli %scan3A_43, %mul3A_63 : i32
        %swap3A = arith.index_cast %mul3A_64 : i32 to index
        %swap3A_65 = tpu.vector_load %arg11[%swap3A] {strides = array<i32>} : memref<3200xi32, #tpu.memory_space<vmem>>, vector<16xi32>,
        tpu.vector_store %arg11[%swap3A], %add3A_62 {strides = array<i32>} : memref<3200xi32, #tpu.memory_space<vmem>>, vector<16xi32>,
      }
      %scan3A_42 = arith.constant 200 : i32
      "tpu.region"() ({
        %run_scoped3A = tpu.sem_alloc : memref<!tpu.dma_semaphore, #tpu.memory_space<semaphore_mem>>
        %dma_start3A = tpu.memref_slice %arg6[%mul3A_37] : memref<800000xi32, #tpu.memory_space<hbm>> -> memref<3200xi32, #tpu.memory_space<hbm>>
        %dma_start3A_43 = tpu.memref_slice %arg6[%mul3A_37] : memref<800000xi32, #tpu.memory_space<hbm>> -> memref<3200xi32, #tpu.memory_space<hbm>>
        tpu.enqueue_dma source(%arg11 : memref<3200xi32, #tpu.memory_space<vmem>>) target(%dma_start3A_43 : memref<3200xi32, #tpu.memory_space<hbm>>) target_semaphore(%run_scoped3A : memref<!tpu.dma_semaphore, #tpu.memory_space<semaphore_mem>>)
        %dma_wait3A = tpu.memref_slice %arg6[%mul3A_37] : memref<800000xi32, #tpu.memory_space<hbm>> -> memref<3200xi32, #tpu.memory_space<hbm>>
        %dma_wait3A_44 = tpu.memref_slice %arg6[%mul3A_37] : memref<800000xi32, #tpu.memory_space<hbm>> -> memref<3200xi32, #tpu.memory_space<hbm>>
        tpu.wait_dma2 semaphore(%run_scoped3A : memref<!tpu.dma_semaphore, #tpu.memory_space<semaphore_mem>>) src(%arg11 : memref<3200xi32, #tpu.memory_space<vmem>>) dst(%dma_wait3A_44 : memref<3200xi32, #tpu.memory_space<hbm>>)
        tpu.yield
      }) : () -> ()
    }
    %while3A_31 = arith.constant 1 : i32
    scf.for %while3A_32 = %while3A_29 to %while3A_25 step %while3A_31  : i32 {
      %mul3A_33 = arith.constant 32 : i32
      %mul3A_34 = arith.muli %while3A_32, %mul3A_33 : i32
      %add3A_35 = arith.addi %add3A, %mul3A_34 : i32
      %mul3A_36 = arith.constant 3200 : i32
      %mul3A_37 = arith.muli %add3A_35, %mul3A_36 : i32
      "tpu.region"() ({
        %run_scoped3A = tpu.sem_alloc : memref<!tpu.dma_semaphore, #tpu.memory_space<semaphore_mem>>
        %dma_start3A = tpu.memref_slice %arg2[%mul3A_37] : memref<800000xi32, #tpu.memory_space<hbm>> -> memref<3200xi32, #tpu.memory_space<hbm>>
        %dma_start3A_43 = tpu.memref_slice %arg2[%mul3A_37] : memref<800000xi32, #tpu.memory_space<hbm>> -> memref<3200xi32, #tpu.memory_space<hbm>>
        tpu.enqueue_dma source(%dma_start3A_43 : memref<3200xi32, #tpu.memory_space<hbm>>) target(%arg8 : memref<3200xi32, #tpu.memory_space<vmem>>) target_semaphore(%run_scoped3A : memref<!tpu.dma_semaphore, #tpu.memory_space<semaphore_mem>>)
        %dma_wait3A = tpu.memref_slice %arg2[%mul3A_37] : memref<800000xi32, #tpu.memory_space<hbm>> -> memref<3200xi32, #tpu.memory_space<hbm>>
        %dma_wait3A_44 = tpu.memref_slice %arg2[%mul3A_37] : memref<800000xi32, #tpu.memory_space<hbm>> -> memref<3200xi32, #tpu.memory_space<hbm>>
        tpu.wait_dma2 semaphore(%run_scoped3A : memref<!tpu.dma_semaphore, #tpu.memory_space<semaphore_mem>>) src(%dma_wait3A_44 : memref<3200xi32, #tpu.memory_space<hbm>>) dst(%arg8 : memref<3200xi32, #tpu.memory_space<vmem>>)
        tpu.yield
      }) : () -> ()
      "tpu.region"() ({
        %run_scoped3A = tpu.sem_alloc : memref<!tpu.dma_semaphore, #tpu.memory_space<semaphore_mem>>
        %dma_start3A = tpu.memref_slice %arg3[%mul3A_37] : memref<800000xi32, #tpu.memory_space<hbm>> -> memref<3200xi32, #tpu.memory_space<hbm>>
        %dma_start3A_43 = tpu.memref_slice %arg3[%mul3A_37] : memref<800000xi32, #tpu.memory_space<hbm>> -> memref<3200xi32, #tpu.memory_space<hbm>>
        tpu.enqueue_dma source(%dma_start3A_43 : memref<3200xi32, #tpu.memory_space<hbm>>) target(%arg9 : memref<3200xi32, #tpu.memory_space<vmem>>) target_semaphore(%run_scoped3A : memref<!tpu.dma_semaphore, #tpu.memory_space<semaphore_mem>>)
        %dma_wait3A = tpu.memref_slice %arg3[%mul3A_37] : memref<800000xi32, #tpu.memory_space<hbm>> -> memref<3200xi32, #tpu.memory_space<hbm>>
        %dma_wait3A_44 = tpu.memref_slice %arg3[%mul3A_37] : memref<800000xi32, #tpu.memory_space<hbm>> -> memref<3200xi32, #tpu.memory_space<hbm>>
        tpu.wait_dma2 semaphore(%run_scoped3A : memref<!tpu.dma_semaphore, #tpu.memory_space<semaphore_mem>>) src(%dma_wait3A_44 : memref<3200xi32, #tpu.memory_space<hbm>>) dst(%arg9 : memref<3200xi32, #tpu.memory_space<vmem>>)
        tpu.yield
      }) : () -> ()
      "tpu.region"() ({
        %run_scoped3A = tpu.sem_alloc : memref<!tpu.dma_semaphore, #tpu.memory_space<semaphore_mem>>
        %dma_start3A = tpu.memref_slice %arg4[%mul3A_37] : memref<800000xi32, #tpu.memory_space<hbm>> -> memref<3200xi32, #tpu.memory_space<hbm>>
        %dma_start3A_43 = tpu.memref_slice %arg4[%mul3A_37] : memref<800000xi32, #tpu.memory_space<hbm>> -> memref<3200xi32, #tpu.memory_space<hbm>>
        tpu.enqueue_dma source(%dma_start3A_43 : memref<3200xi32, #tpu.memory_space<hbm>>) target(%arg10 : memref<3200xi32, #tpu.memory_space<vmem>>) target_semaphore(%run_scoped3A : memref<!tpu.dma_semaphore, #tpu.memory_space<semaphore_mem>>)
        %dma_wait3A = tpu.memref_slice %arg4[%mul3A_37] : memref<800000xi32, #tpu.memory_space<hbm>> -> memref<3200xi32, #tpu.memory_space<hbm>>
        %dma_wait3A_44 = tpu.memref_slice %arg4[%mul3A_37] : memref<800000xi32, #tpu.memory_space<hbm>> -> memref<3200xi32, #tpu.memory_space<hbm>>
        tpu.wait_dma2 semaphore(%run_scoped3A : memref<!tpu.dma_semaphore, #tpu.memory_space<semaphore_mem>>) src(%dma_wait3A_44 : memref<3200xi32, #tpu.memory_space<hbm>>) dst(%arg10 : memref<3200xi32, #tpu.memory_space<vmem>>)
        tpu.yield
      }) : () -> ()
      %scan3A = arith.constant 0 : i32
      %scan3A_38 = arith.constant 0 : i32
      %scan3A_39 = arith.constant 200 : i32
      %scan3A_40 = arith.addi %scan3A_38, %scan3A_39 : i32
      %scan3A_41 = arith.constant 1 : i32
      scf.for %scan3A_43 = %scan3A_38 to %scan3A_40 step %scan3A_41  : i32 {
        %mul3A_44 = arith.constant 16 : i32
        %mul3A_45 = arith.muli %scan3A_43, %mul3A_44 : i32
        %get3A = arith.index_cast %mul3A_45 : i32 to index
        %get3A_46 = tpu.vector_load %arg8[%get3A] {strides = array<i32>} : memref<3200xi32, #tpu.memory_space<vmem>>, vector<16xi32>,
        %gather3A = tpu.vector_load_idx %arg7[%get3A_46] : memref<50000xi32, #tpu.memory_space<vmem>>[vector<16xi32>], vector<16xi32>,
        %mul3A_47 = arith.constant 16 : i32
        %mul3A_48 = arith.muli %scan3A_43, %mul3A_47 : i32
        %get3A_49 = arith.index_cast %mul3A_48 : i32 to index
        %get3A_50 = tpu.vector_load %arg9[%get3A_49] {strides = array<i32>} : memref<3200xi32, #tpu.memory_space<vmem>>, vector<16xi32>,
        %mul3A_51 = arith.constant 512 : i32
        %mul3A_52 = vector.broadcast %mul3A_51 : i32 to vector<16xi32>
        %mul3A_53 = arith.muli %get3A_50, %mul3A_52 : vector<16xi32>
        %mul3A_54 = arith.constant 16 : i32
        %mul3A_55 = vector.broadcast %mul3A_54 : i32 to vector<16xi32>
        %mul3A_56 = arith.muli %gather3A, %mul3A_55 : vector<16xi32>
        %add3A_57 = arith.addi %mul3A_53, %mul3A_56 : vector<16xi32>
        %mul3A_58 = arith.constant 16 : i32
        %mul3A_59 = arith.muli %scan3A_43, %mul3A_58 : i32
        %get3A_60 = arith.index_cast %mul3A_59 : i32 to index
        %get3A_61 = tpu.vector_load %arg10[%get3A_60] {strides = array<i32>} : memref<3200xi32, #tpu.memory_space<vmem>>, vector<16xi32>,
        %add3A_62 = arith.addi %add3A_57, %get3A_61 : vector<16xi32>
        %mul3A_63 = arith.constant 16 : i32
        %mul3A_64 = arith.muli %scan3A_43, %mul3A_63 : i32
        %swap3A = arith.index_cast %mul3A_64 : i32 to index
        %swap3A_65 = tpu.vector_load %arg11[%swap3A] {strides = array<i32>} : memref<3200xi32, #tpu.memory_space<vmem>>, vector<16xi32>,
        tpu.vector_store %arg11[%swap3A], %add3A_62 {strides = array<i32>} : memref<3200xi32, #tpu.memory_space<vmem>>, vector<16xi32>,
      }
      %scan3A_42 = arith.constant 200 : i32
      "tpu.region"() ({
        %run_scoped3A = tpu.sem_alloc : memref<!tpu.dma_semaphore, #tpu.memory_space<semaphore_mem>>
        %dma_start3A = tpu.memref_slice %arg6[%mul3A_37] : memref<800000xi32, #tpu.memory_space<hbm>> -> memref<3200xi32, #tpu.memory_space<hbm>>
        %dma_start3A_43 = tpu.memref_slice %arg6[%mul3A_37] : memref<800000xi32, #tpu.memory_space<hbm>> -> memref<3200xi32, #tpu.memory_space<hbm>>
        tpu.enqueue_dma source(%arg11 : memref<3200xi32, #tpu.memory_space<vmem>>) target(%dma_start3A_43 : memref<3200xi32, #tpu.memory_space<hbm>>) target_semaphore(%run_scoped3A : memref<!tpu.dma_semaphore, #tpu.memory_space<semaphore_mem>>)
        %dma_wait3A = tpu.memref_slice %arg6[%mul3A_37] : memref<800000xi32, #tpu.memory_space<hbm>> -> memref<3200xi32, #tpu.memory_space<hbm>>
        %dma_wait3A_44 = tpu.memref_slice %arg6[%mul3A_37] : memref<800000xi32, #tpu.memory_space<hbm>> -> memref<3200xi32, #tpu.memory_space<hbm>>
        tpu.wait_dma2 semaphore(%run_scoped3A : memref<!tpu.dma_semaphore, #tpu.memory_space<semaphore_mem>>) src(%arg11 : memref<3200xi32, #tpu.memory_space<vmem>>) dst(%dma_wait3A_44 : memref<3200xi32, #tpu.memory_space<hbm>>)
        tpu.yield
      }) : () -> ()
    }
    return
  }
}

#map = affine_map<(d0, d1) -> (0)>
#map1 = affine_map<(d0, d1) -> (0, 0)>
module attributes {stable_mosaic.version = 14 : i64} {
  func.func @_hist_kernel(%arg0: i32, %arg1: i32, %arg2: memref<800000xi32, #tpu.memory_space<hbm>>, %arg3: memref<1605632x16xf32, #tpu.memory_space<hbm>>, %arg4: memref<7168x16xf32, #tpu.memory_space<vmem>>, %arg5: memref<16000xi32, #tpu.memory_space<vmem>>) attributes {dimension_semantics = [#tpu.dimension_semantics<core_parallel>, #tpu.dimension_semantics<subcore_parallel>], iteration_bounds = array<i64: 2, 16>, scalar_prefetch = 0 : i64, scratch_operands = 2 : i64, tpu.core_type = #tpu.core_type<sc_vector_subcore>, window_params = [{transform_indices = #map}, {transform_indices = #map1}]} {
    %mul3A = arith.constant 2 : i32
    %mul3A_0 = arith.muli %arg1, %mul3A : i32
    %add3A = arith.addi %mul3A_0, %arg0 : i32
    %broadcast_in_dim3A = arith.constant 1.000000e+00 : f32
    %broadcast_in_dim3A_1 = vector.broadcast %broadcast_in_dim3A : f32 to vector<16xf32>
    %broadcast_in_dim3A_2 = arith.constant 0.000000e+00 : f32
    %broadcast_in_dim3A_3 = vector.broadcast %broadcast_in_dim3A_2 : f32 to vector<16xf32>
    %scan3A = arith.constant 0 : i32
    %scan3A_4 = arith.constant 0 : i32
    %scan3A_5 = arith.constant 7 : i32
    %scan3A_6 = arith.addi %scan3A_4, %scan3A_5 : i32
    %scan3A_7 = arith.constant 1 : i32
    scf.for %scan3A_9 = %scan3A_4 to %scan3A_6 step %scan3A_7  : i32 {
      %mul3A_10 = arith.constant 32 : i32
      %mul3A_11 = arith.muli %scan3A_9, %mul3A_10 : i32
      %add3A_12 = arith.addi %mul3A_11, %add3A : i32
      %mul3A_13 = arith.constant 224 : i32
      %mul3A_14 = arith.muli %add3A_12, %mul3A_13 : i32
      %mul3A_15 = arith.constant 512 : i32
      %mul3A_16 = arith.muli %mul3A_14, %mul3A_15 : i32
      %scan3A_17 = arith.constant 0 : i32
      %scan3A_18 = arith.constant 0 : i32
      %scan3A_19 = arith.constant 7168 : i32
      %scan3A_20 = arith.addi %scan3A_18, %scan3A_19 : i32
      %scan3A_21 = arith.constant 1 : i32
      scf.for %scan3A_34 = %scan3A_18 to %scan3A_20 step %scan3A_21  : i32 {
        %swap3A = arith.index_cast %scan3A_34 : i32 to index
        %swap3A_35 = arith.constant 0 : index
        %swap3A_36 = tpu.vector_load %arg4[%swap3A, %swap3A_35] {strides = array<i32>} : memref<7168x16xf32, #tpu.memory_space<vmem>>, vector<16xf32>,
        tpu.vector_store %arg4[%swap3A, %swap3A_35], %broadcast_in_dim3A_3 {strides = array<i32>} : memref<7168x16xf32, #tpu.memory_space<vmem>>, vector<16xf32>,
      }
      %scan3A_22 = arith.constant 7168 : i32
      %scan3A_23 = arith.constant 0 : i32
      %scan3A_24 = arith.constant 0 : i32
      %scan3A_25 = arith.constant 50 : i32
      %scan3A_26 = arith.addi %scan3A_24, %scan3A_25 : i32
      %scan3A_27 = arith.constant 1 : i32
      scf.for %scan3A_34 = %scan3A_24 to %scan3A_26 step %scan3A_27  : i32 {
        %mul3A_35 = arith.constant 16000 : i32
        %mul3A_36 = arith.muli %scan3A_34, %mul3A_35 : i32
        "tpu.region"() ({
          %run_scoped3A = tpu.sem_alloc : memref<!tpu.dma_semaphore, #tpu.memory_space<semaphore_mem>>
          %dma_start3A = tpu.memref_slice %arg2[%mul3A_36] : memref<800000xi32, #tpu.memory_space<hbm>> -> memref<16000xi32, #tpu.memory_space<hbm>>
          %dma_start3A_39 = tpu.memref_slice %arg2[%mul3A_36] : memref<800000xi32, #tpu.memory_space<hbm>> -> memref<16000xi32, #tpu.memory_space<hbm>>
          tpu.enqueue_dma source(%dma_start3A_39 : memref<16000xi32, #tpu.memory_space<hbm>>) target(%arg5 : memref<16000xi32, #tpu.memory_space<vmem>>) target_semaphore(%run_scoped3A : memref<!tpu.dma_semaphore, #tpu.memory_space<semaphore_mem>>)
          %dma_wait3A = tpu.memref_slice %arg2[%mul3A_36] : memref<800000xi32, #tpu.memory_space<hbm>> -> memref<16000xi32, #tpu.memory_space<hbm>>
          %dma_wait3A_40 = tpu.memref_slice %arg2[%mul3A_36] : memref<800000xi32, #tpu.memory_space<hbm>> -> memref<16000xi32, #tpu.memory_space<hbm>>
          tpu.wait_dma2 semaphore(%run_scoped3A : memref<!tpu.dma_semaphore, #tpu.memory_space<semaphore_mem>>) src(%dma_wait3A_40 : memref<16000xi32, #tpu.memory_space<hbm>>) dst(%arg5 : memref<16000xi32, #tpu.memory_space<vmem>>)
          tpu.yield
        }) : () -> ()
        %parallel_loop3A = arith.constant 0 : i32
        %parallel_loop3A_37 = arith.constant 1000 : i32
        %parallel_loop3A_38 = arith.constant 1 : i32
        scf.for %parallel_loop3A_39 = %parallel_loop3A to %parallel_loop3A_37 step %parallel_loop3A_38  : i32 {
          %parallel_loop3A_40 = arith.constant 16 : i32
          %parallel_loop3A_41 = arith.muli %parallel_loop3A_39, %parallel_loop3A_40 : i32
          %parallel_loop3A_42 = arith.index_cast %parallel_loop3A_41 : i32 to index
          %parallel_loop3A_43 = tpu.vector_load %arg5[%parallel_loop3A_42] {strides = array<i32>} : memref<16000xi32, #tpu.memory_space<vmem>>, vector<16xi32>,
          %parallel_loop3A_44 = vector.broadcast %mul3A_16 : i32 to vector<16xi32>
          %parallel_loop3A_45 = arith.subi %parallel_loop3A_43, %parallel_loop3A_44 : vector<16xi32>
          %parallel_loop3A_46 = arith.constant 0 : i32
          %parallel_loop3A_47 = vector.broadcast %parallel_loop3A_46 : i32 to vector<16xi32>
          %parallel_loop3A_48 = arith.cmpi sge, %parallel_loop3A_45, %parallel_loop3A_47 : vector<16xi32>
          %parallel_loop3A_49 = arith.constant 114688 : i32
          %parallel_loop3A_50 = vector.broadcast %parallel_loop3A_49 : i32 to vector<16xi32>
          %parallel_loop3A_51 = arith.cmpi slt, %parallel_loop3A_45, %parallel_loop3A_50 : vector<16xi32>
          %parallel_loop3A_52 = arith.andi %parallel_loop3A_48, %parallel_loop3A_51 : vector<16xi1>
          %parallel_loop3A_53 = arith.constant 4 : i32
          %parallel_loop3A_54 = vector.broadcast %parallel_loop3A_53 : i32 to vector<16xi32>
          %parallel_loop3A_55 = arith.shrui %parallel_loop3A_45, %parallel_loop3A_54 : vector<16xi32>
          %parallel_loop3A_56 = arith.constant 15 : i32
          %parallel_loop3A_57 = vector.broadcast %parallel_loop3A_56 : i32 to vector<16xi32>
          %parallel_loop3A_58 = arith.andi %parallel_loop3A_45, %parallel_loop3A_57 : vector<16xi32>
          tpu.vector_store_idx %arg4[%parallel_loop3A_55, %parallel_loop3A_58], %broadcast_in_dim3A_1 masked %parallel_loop3A_52 {add = true} : memref<7168x16xf32, #tpu.memory_space<vmem>>[vector<16xi32>, vector<16xi32>], vector<16xf32>, vector<16xi1>
        } {sc.loop_unroll_factor = 8 : i64, sc.parallel_access}
      }
      %scan3A_28 = arith.constant 50 : i32
      %mul3A_29 = arith.constant 32 : i32
      %mul3A_30 = arith.muli %scan3A_9, %mul3A_29 : i32
      %add3A_31 = arith.addi %mul3A_30, %add3A : i32
      %mul3A_32 = arith.constant 7168 : i32
      %mul3A_33 = arith.muli %add3A_31, %mul3A_32 : i32
      "tpu.region"() ({
        %run_scoped3A = tpu.sem_alloc : memref<!tpu.dma_semaphore, #tpu.memory_space<semaphore_mem>>
        %dma_start3A = arith.constant 0 : i32
        %dma_start3A_34 = tpu.memref_slice %arg3[%mul3A_33, %dma_start3A] : memref<1605632x16xf32, #tpu.memory_space<hbm>> -> memref<7168x16xf32, #tpu.memory_space<hbm>>
        %dma_start3A_35 = arith.constant 0 : i32
        %dma_start3A_36 = tpu.memref_slice %arg3[%mul3A_33, %dma_start3A_35] : memref<1605632x16xf32, #tpu.memory_space<hbm>> -> memref<7168x16xf32, #tpu.memory_space<hbm>>
        tpu.enqueue_dma source(%arg4 : memref<7168x16xf32, #tpu.memory_space<vmem>>) target(%dma_start3A_36 : memref<7168x16xf32, #tpu.memory_space<hbm>>) target_semaphore(%run_scoped3A : memref<!tpu.dma_semaphore, #tpu.memory_space<semaphore_mem>>)
        %dma_wait3A = arith.constant 0 : i32
        %dma_wait3A_37 = tpu.memref_slice %arg3[%mul3A_33, %dma_wait3A] : memref<1605632x16xf32, #tpu.memory_space<hbm>> -> memref<7168x16xf32, #tpu.memory_space<hbm>>
        %dma_wait3A_38 = arith.constant 0 : i32
        %dma_wait3A_39 = tpu.memref_slice %arg3[%mul3A_33, %dma_wait3A_38] : memref<1605632x16xf32, #tpu.memory_space<hbm>> -> memref<7168x16xf32, #tpu.memory_space<hbm>>
        tpu.wait_dma2 semaphore(%run_scoped3A : memref<!tpu.dma_semaphore, #tpu.memory_space<semaphore_mem>>) src(%arg4 : memref<7168x16xf32, #tpu.memory_space<vmem>>) dst(%dma_wait3A_39 : memref<7168x16xf32, #tpu.memory_space<hbm>>)
        tpu.yield
      }) : () -> ()
    }
    %scan3A_8 = arith.constant 7 : i32
    return
  }
}

module attributes {stable_mosaic.version = 14 : i64} {
  func.func @_mlp_table_kernel(%arg0: memref<512x96xf32, #tpu.memory_space<vmem>>, %arg1: memref<96x128xf32, #tpu.memory_space<vmem>>, %arg2: memref<1x128xf32, #tpu.memory_space<vmem>>, %arg3: memref<128x128xf32, #tpu.memory_space<vmem>>, %arg4: memref<1x128xf32, #tpu.memory_space<vmem>>, %arg5: memref<512x128xf32, #tpu.memory_space<vmem>>) attributes {dimension_semantics = [], scalar_prefetch = 0 : i64, scratch_operands = 0 : i64, tpu.core_type = #tpu.core_type<tc>} {
    %get3A = arith.constant 0 : index
    %get3A_0 = arith.constant 0 : index
    %get3A_1 = vector.load %arg0[%get3A, %get3A_0] : memref<512x96xf32, #tpu.memory_space<vmem>>, vector<512x96xf32>
    %get3A_2 = arith.constant 0 : index
    %get3A_3 = arith.constant 0 : index
    %get3A_4 = vector.load %arg1[%get3A_2, %get3A_3] : memref<96x128xf32, #tpu.memory_space<vmem>>, vector<96x128xf32>
    %dot_general3A = arith.constant dense<0.000000e+00> : vector<512x128xf32>
    %dot_general3A_5 = tpu.matmul %get3A_1, %get3A_4, %dot_general3A {dimension_numbers = #tpu.dot_dimension_numbers<[1], [0], [0], [1], [0, 0, 1, 1], [], []>, transpose_lhs_hint = false} : vector<512x96xf32>, vector<96x128xf32>, vector<512x128xf32> -> vector<512x128xf32>
    %get3A_6 = arith.constant 0 : index
    %get3A_7 = arith.constant 0 : index
    %get3A_8 = vector.load %arg2[%get3A_6, %get3A_7] : memref<1x128xf32, #tpu.memory_space<vmem>>, vector<1x128xf32>
    %add3A = vector.broadcast %get3A_8 : vector<1x128xf32> to vector<512x128xf32>
    %add3A_9 = arith.addf %dot_general3A_5, %add3A : vector<512x128xf32>
    %max3A = arith.constant 0.000000e+00 : f32
    %max3A_10 = vector.broadcast %max3A : f32 to vector<512x128xf32>
    %max3A_11 = arith.maximumf %add3A_9, %max3A_10 : vector<512x128xf32>
    %get3A_12 = arith.constant 0 : index
    %get3A_13 = arith.constant 0 : index
    %get3A_14 = vector.load %arg3[%get3A_12, %get3A_13] : memref<128x128xf32, #tpu.memory_space<vmem>>, vector<128x128xf32>
    %dot_general3A_15 = arith.constant dense<0.000000e+00> : vector<512x128xf32>
    %dot_general3A_16 = tpu.matmul %max3A_11, %get3A_14, %dot_general3A_15 {dimension_numbers = #tpu.dot_dimension_numbers<[1], [0], [0], [1], [0, 0, 1, 1], [], []>, transpose_lhs_hint = false} : vector<512x128xf32>, vector<128x128xf32>, vector<512x128xf32> -> vector<512x128xf32>
    %get3A_17 = arith.constant 0 : index
    %get3A_18 = arith.constant 0 : index
    %get3A_19 = vector.load %arg4[%get3A_17, %get3A_18] : memref<1x128xf32, #tpu.memory_space<vmem>>, vector<1x128xf32>
    %add3A_20 = vector.broadcast %get3A_19 : vector<1x128xf32> to vector<512x128xf32>
    %add3A_21 = arith.addf %dot_general3A_16, %add3A_20 : vector<512x128xf32>
    %swap3A = arith.constant 0 : index
    %swap3A_22 = arith.constant 0 : index
    %swap3A_23 = vector.load %arg5[%swap3A, %swap3A_22] : memref<512x128xf32, #tpu.memory_space<vmem>>, vector<512x128xf32>
    tpu.vector_store %arg5[%swap3A, %swap3A_22], %add3A_21 {strides = array<i32>} : memref<512x128xf32, #tpu.memory_space<vmem>>, vector<512x128xf32>,
    return
  }
}

module attributes {stable_mosaic.version = 14 : i64} {
  func.func @_merge_kernel(%arg0: i32, %arg1: memref<2000x512xf32, #tpu.memory_space<vmem>>, %arg2: memref<1x2000x1xi32, #tpu.memory_space<vmem>>, %arg3: memref<512x128xf32, #tpu.memory_space<vmem>>, %arg4: memref<32x64xf32, #tpu.memory_space<vmem>>, %arg5: memref<128x64xf32, #tpu.memory_space<vmem>>, %arg6: memref<128x64xf32, #tpu.memory_space<vmem>>, %arg7: memref<128x64xf32, #tpu.memory_space<vmem>>, %arg8: memref<1x64xf32, #tpu.memory_space<vmem>>, %arg9: memref<1x64xf32, #tpu.memory_space<vmem>>, %arg10: memref<1x64xf32, #tpu.memory_space<vmem>>, %arg11: memref<64x64xf32, #tpu.memory_space<vmem>>, %arg12: memref<64x64xf32, #tpu.memory_space<vmem>>, %arg13: memref<64x64xf32, #tpu.memory_space<vmem>>, %arg14: memref<1x64xf32, #tpu.memory_space<vmem>>, %arg15: memref<1x64xf32, #tpu.memory_space<vmem>>, %arg16: memref<1x64xf32, #tpu.memory_space<vmem>>, %arg17: memref<1x64xf32, #tpu.memory_space<vmem>>, %arg18: memref<1x1xf32, #tpu.memory_space<vmem>>, %arg19: memref<1x2000x1xf32, #tpu.memory_space<vmem>>) attributes {dimension_semantics = [#tpu.dimension_semantics<arbitrary>], iteration_bounds = array<i64: 25>, scalar_prefetch = 0 : i64, scratch_operands = 0 : i64, tpu.core_type = #tpu.core_type<tc>, window_params = [{transform_indices = @transform_0, window_bounds = array<i64: 2000, 512>}, {transform_indices = @transform_1, window_bounds = array<i64: 1, 2000, 1>}, {pipeline_mode = #tpu.pipeline_mode<synchronous>, transform_indices = @transform_2, window_bounds = array<i64: 512, 128>}, {pipeline_mode = #tpu.pipeline_mode<synchronous>, transform_indices = @transform_3, window_bounds = array<i64: 32, 64>}, {pipeline_mode = #tpu.pipeline_mode<synchronous>, transform_indices = @transform_4, window_bounds = array<i64: 128, 64>}, {pipeline_mode = #tpu.pipeline_mode<synchronous>, transform_indices = @transform_5, window_bounds = array<i64: 128, 64>}, {pipeline_mode = #tpu.pipeline_mode<synchronous>, transform_indices = @transform_6, window_bounds = array<i64: 128, 64>}, {pipeline_mode = #tpu.pipeline_mode<synchronous>, transform_indices = @transform_7, window_bounds = array<i64: 1, 64>}, {pipeline_mode = #tpu.pipeline_mode<synchronous>, transform_indices = @transform_8, window_bounds = array<i64: 1, 64>}, {pipeline_mode = #tpu.pipeline_mode<synchronous>, transform_indices = @transform_9, window_bounds = array<i64: 1, 64>}, {pipeline_mode = #tpu.pipeline_mode<synchronous>, transform_indices = @transform_10, window_bounds = array<i64: 64, 64>}, {pipeline_mode = #tpu.pipeline_mode<synchronous>, transform_indices = @transform_11, window_bounds = array<i64: 64, 64>}, {pipeline_mode = #tpu.pipeline_mode<synchronous>, transform_indices = @transform_12, window_bounds = array<i64: 64, 64>}, {pipeline_mode = #tpu.pipeline_mode<synchronous>, transform_indices = @transform_13, window_bounds = array<i64: 1, 64>}, {pipeline_mode = #tpu.pipeline_mode<synchronous>, transform_indices = @transform_14, window_bounds = array<i64: 1, 64>}, {pipeline_mode = #tpu.pipeline_mode<synchronous>, transform_indices = @transform_15, window_bounds = array<i64: 1, 64>}, {pipeline_mode = #tpu.pipeline_mode<synchronous>, transform_indices = @transform_16, window_bounds = array<i64: 1, 64>}, {pipeline_mode = #tpu.pipeline_mode<synchronous>, transform_indices = @transform_17, window_bounds = array<i64: 1, 1>}, {transform_indices = @transform_18, window_bounds = array<i64: 1, 2000, 1>}]} {
    %get3A = arith.constant 0 : index
    %get3A_0 = arith.constant 0 : index
    %get3A_1 = vector.load %arg1[%get3A, %get3A_0] : memref<2000x512xf32, #tpu.memory_space<vmem>>, vector<2000x512xf32>
    %reduce_sum3A = arith.constant dense<0.000000e+00> : vector<2000xf32>
    %reduce_sum3A_2 = vector.multi_reduction <add>, %get3A_1, %reduce_sum3A [1] : vector<2000x512xf32> to vector<2000xf32>
    %broadcast_in_dim3A = vector.shape_cast %reduce_sum3A_2 : vector<2000xf32> to vector<2000x1xf32>
    %get3A_3 = arith.constant 0 : index
    %get3A_4 = arith.constant 0 : index
    %get3A_5 = vector.load %arg3[%get3A_3, %get3A_4] : memref<512x128xf32, #tpu.memory_space<vmem>>, vector<512x128xf32>
    %dot_general3A = arith.constant dense<0.000000e+00> : vector<2000x128xf32>
    %dot_general3A_6 = tpu.matmul %get3A_1, %get3A_5, %dot_general3A {dimension_numbers = #tpu.dot_dimension_numbers<[1], [0], [0], [1], [0, 0, 1, 1], [], []>, transpose_lhs_hint = false} : vector<2000x512xf32>, vector<512x128xf32>, vector<2000x128xf32> -> vector<2000x128xf32>
    %max3A = arith.constant 1.000000e+00 : f32
    %max3A_7 = vector.broadcast %max3A : f32 to vector<2000x1xf32>
    %max3A_8 = arith.maximumf %broadcast_in_dim3A, %max3A_7 : vector<2000x1xf32>
    %div3A = vector.broadcast %max3A_8 : vector<2000x1xf32> to vector<2000x128xf32>
    %div3A_9 = arith.divf %dot_general3A_6, %div3A : vector<2000x128xf32>
    %get3A_10 = arith.constant 0 : index
    %get3A_11 = arith.constant 0 : index
    %get3A_12 = arith.constant 0 : index
    %get3A_13 = vector.load %arg2[%get3A_10, %get3A_11, %get3A_12] : memref<1x2000x1xi32, #tpu.memory_space<vmem>>, vector<1x2000x1xi32>
    %get3A_14 = vector.shape_cast %get3A_13 : vector<1x2000x1xi32> to vector<2000x1xi32>
    %iota3A = tpu.iota {dimensions = array<i32: 1>} : vector<2000x32xi32>
    %eq3A = vector.broadcast %get3A_14 : vector<2000x1xi32> to vector<2000x32xi32>
    %eq3A_15 = arith.cmpi eq, %eq3A, %iota3A : vector<2000x32xi32>
    %convert_element_type3A = arith.extui %eq3A_15 : vector<2000x32xi1> to vector<2000x32xi32>
    %convert_element_type3A_16 = arith.sitofp %convert_element_type3A : vector<2000x32xi32> to vector<2000x32xf32>
    %get3A_17 = arith.constant 0 : index
    %get3A_18 = arith.constant 0 : index
    %get3A_19 = vector.load %arg4[%get3A_17, %get3A_18] : memref<32x64xf32, #tpu.memory_space<vmem>>, vector<32x64xf32>
    %dot_general3A_20 = arith.constant dense<0.000000e+00> : vector<2000x64xf32>
    %dot_general3A_21 = tpu.matmul %convert_element_type3A_16, %get3A_19, %dot_general3A_20 {dimension_numbers = #tpu.dot_dimension_numbers<[1], [0], [0], [1], [0, 0, 1, 1], [], []>, transpose_lhs_hint = false} : vector<2000x32xf32>, vector<32x64xf32>, vector<2000x64xf32> -> vector<2000x64xf32>
    %get3A_22 = arith.constant 0 : index
    %get3A_23 = arith.constant 0 : index
    %get3A_24 = vector.load %arg5[%get3A_22, %get3A_23] : memref<128x64xf32, #tpu.memory_space<vmem>>, vector<128x64xf32>
    %dot_general3A_25 = arith.constant dense<0.000000e+00> : vector<2000x64xf32>
    %dot_general3A_26 = tpu.matmul %div3A_9, %get3A_24, %dot_general3A_25 {dimension_numbers = #tpu.dot_dimension_numbers<[1], [0], [0], [1], [0, 0, 1, 1], [], []>, transpose_lhs_hint = false} : vector<2000x128xf32>, vector<128x64xf32>, vector<2000x64xf32> -> vector<2000x64xf32>
    %get3A_27 = arith.constant 0 : index
    %get3A_28 = arith.constant 0 : index
    %get3A_29 = vector.load %arg8[%get3A_27, %get3A_28] : memref<1x64xf32, #tpu.memory_space<vmem>>, vector<1x64xf32>
    %add3A = vector.broadcast %get3A_29 : vector<1x64xf32> to vector<2000x64xf32>
    %add3A_30 = arith.addf %dot_general3A_26, %add3A : vector<2000x64xf32>
    %get3A_31 = arith.constant 0 : index
    %get3A_32 = arith.constant 0 : index
    %get3A_33 = vector.load %arg11[%get3A_31, %get3A_32] : memref<64x64xf32, #tpu.memory_space<vmem>>, vector<64x64xf32>
    %dot_general3A_34 = arith.constant dense<0.000000e+00> : vector<2000x64xf32>
    %dot_general3A_35 = tpu.matmul %dot_general3A_21, %get3A_33, %dot_general3A_34 {dimension_numbers = #tpu.dot_dimension_numbers<[1], [0], [0], [1], [0, 0, 1, 1], [], []>, transpose_lhs_hint = false} : vector<2000x64xf32>, vector<64x64xf32>, vector<2000x64xf32> -> vector<2000x64xf32>
    %get3A_36 = arith.constant 0 : index
    %get3A_37 = arith.constant 0 : index
    %get3A_38 = vector.load %arg14[%get3A_36, %get3A_37] : memref<1x64xf32, #tpu.memory_space<vmem>>, vector<1x64xf32>
    %add3A_39 = vector.broadcast %get3A_38 : vector<1x64xf32> to vector<2000x64xf32>
    %add3A_40 = arith.addf %dot_general3A_35, %add3A_39 : vector<2000x64xf32>
    %add3A_41 = arith.addf %add3A_30, %add3A_40 : vector<2000x64xf32>
    %logistic3A = arith.negf %add3A_41 : vector<2000x64xf32>
    %logistic3A_42 = math.exp %logistic3A : vector<2000x64xf32>
    %logistic3A_43 = arith.constant 1.000000e+00 : f32
    %logistic3A_44 = vector.broadcast %logistic3A_43 : f32 to vector<2000x64xf32>
    %logistic3A_45 = arith.addf %logistic3A_44, %logistic3A_42 : vector<2000x64xf32>
    %logistic3A_46 = arith.divf %logistic3A_44, %logistic3A_45 : vector<2000x64xf32>
    %get3A_47 = arith.constant 0 : index
    %get3A_48 = arith.constant 0 : index
    %get3A_49 = vector.load %arg6[%get3A_47, %get3A_48] : memref<128x64xf32, #tpu.memory_space<vmem>>, vector<128x64xf32>
    %dot_general3A_50 = arith.constant dense<0.000000e+00> : vector<2000x64xf32>
    %dot_general3A_51 = tpu.matmul %div3A_9, %get3A_49, %dot_general3A_50 {dimension_numbers = #tpu.dot_dimension_numbers<[1], [0], [0], [1], [0, 0, 1, 1], [], []>, transpose_lhs_hint = false} : vector<2000x128xf32>, vector<128x64xf32>, vector<2000x64xf32> -> vector<2000x64xf32>
    %get3A_52 = arith.constant 0 : index
    %get3A_53 = arith.constant 0 : index
    %get3A_54 = vector.load %arg9[%get3A_52, %get3A_53] : memref<1x64xf32, #tpu.memory_space<vmem>>, vector<1x64xf32>
    %add3A_55 = vector.broadcast %get3A_54 : vector<1x64xf32> to vector<2000x64xf32>
    %add3A_56 = arith.addf %dot_general3A_51, %add3A_55 : vector<2000x64xf32>
    %get3A_57 = arith.constant 0 : index
    %get3A_58 = arith.constant 0 : index
    %get3A_59 = vector.load %arg12[%get3A_57, %get3A_58] : memref<64x64xf32, #tpu.memory_space<vmem>>, vector<64x64xf32>
    %dot_general3A_60 = arith.constant dense<0.000000e+00> : vector<2000x64xf32>
    %dot_general3A_61 = tpu.matmul %dot_general3A_21, %get3A_59, %dot_general3A_60 {dimension_numbers = #tpu.dot_dimension_numbers<[1], [0], [0], [1], [0, 0, 1, 1], [], []>, transpose_lhs_hint = false} : vector<2000x64xf32>, vector<64x64xf32>, vector<2000x64xf32> -> vector<2000x64xf32>
    %get3A_62 = arith.constant 0 : index
    %get3A_63 = arith.constant 0 : index
    %get3A_64 = vector.load %arg15[%get3A_62, %get3A_63] : memref<1x64xf32, #tpu.memory_space<vmem>>, vector<1x64xf32>
    %add3A_65 = vector.broadcast %get3A_64 : vector<1x64xf32> to vector<2000x64xf32>
    %add3A_66 = arith.addf %dot_general3A_61, %add3A_65 : vector<2000x64xf32>
    %add3A_67 = arith.addf %add3A_56, %add3A_66 : vector<2000x64xf32>
    %logistic3A_68 = arith.negf %add3A_67 : vector<2000x64xf32>
    %logistic3A_69 = math.exp %logistic3A_68 : vector<2000x64xf32>
    %logistic3A_70 = arith.constant 1.000000e+00 : f32
    %logistic3A_71 = vector.broadcast %logistic3A_70 : f32 to vector<2000x64xf32>
    %logistic3A_72 = arith.addf %logistic3A_71, %logistic3A_69 : vector<2000x64xf32>
    %logistic3A_73 = arith.divf %logistic3A_71, %logistic3A_72 : vector<2000x64xf32>
    %get3A_74 = arith.constant 0 : index
    %get3A_75 = arith.constant 0 : index
    %get3A_76 = vector.load %arg7[%get3A_74, %get3A_75] : memref<128x64xf32, #tpu.memory_space<vmem>>, vector<128x64xf32>
    %dot_general3A_77 = arith.constant dense<0.000000e+00> : vector<2000x64xf32>
    %dot_general3A_78 = tpu.matmul %div3A_9, %get3A_76, %dot_general3A_77 {dimension_numbers = #tpu.dot_dimension_numbers<[1], [0], [0], [1], [0, 0, 1, 1], [], []>, transpose_lhs_hint = false} : vector<2000x128xf32>, vector<128x64xf32>, vector<2000x64xf32> -> vector<2000x64xf32>
    %get3A_79 = arith.constant 0 : index
    %get3A_80 = arith.constant 0 : index
    %get3A_81 = vector.load %arg10[%get3A_79, %get3A_80] : memref<1x64xf32, #tpu.memory_space<vmem>>, vector<1x64xf32>
    %add3A_82 = vector.broadcast %get3A_81 : vector<1x64xf32> to vector<2000x64xf32>
    %add3A_83 = arith.addf %dot_general3A_78, %add3A_82 : vector<2000x64xf32>
    %get3A_84 = arith.constant 0 : index
    %get3A_85 = arith.constant 0 : index
    %get3A_86 = vector.load %arg13[%get3A_84, %get3A_85] : memref<64x64xf32, #tpu.memory_space<vmem>>, vector<64x64xf32>
    %dot_general3A_87 = arith.constant dense<0.000000e+00> : vector<2000x64xf32>
    %dot_general3A_88 = tpu.matmul %dot_general3A_21, %get3A_86, %dot_general3A_87 {dimension_numbers = #tpu.dot_dimension_numbers<[1], [0], [0], [1], [0, 0, 1, 1], [], []>, transpose_lhs_hint = false} : vector<2000x64xf32>, vector<64x64xf32>, vector<2000x64xf32> -> vector<2000x64xf32>
    %get3A_89 = arith.constant 0 : index
    %get3A_90 = arith.constant 0 : index
    %get3A_91 = vector.load %arg16[%get3A_89, %get3A_90] : memref<1x64xf32, #tpu.memory_space<vmem>>, vector<1x64xf32>
    %add3A_92 = vector.broadcast %get3A_91 : vector<1x64xf32> to vector<2000x64xf32>
    %add3A_93 = arith.addf %dot_general3A_88, %add3A_92 : vector<2000x64xf32>
    %mul3A = arith.mulf %logistic3A_46, %add3A_93 : vector<2000x64xf32>
    %add3A_94 = arith.addf %add3A_83, %mul3A : vector<2000x64xf32>
    %tanh3A = math.tanh %add3A_94 : vector<2000x64xf32>
    %sub3A = arith.constant 1.000000e+00 : f32
    %sub3A_95 = vector.broadcast %sub3A : f32 to vector<2000x64xf32>
    %sub3A_96 = arith.subf %sub3A_95, %logistic3A_73 : vector<2000x64xf32>
    %mul3A_97 = arith.mulf %sub3A_96, %tanh3A : vector<2000x64xf32>
    %mul3A_98 = arith.mulf %logistic3A_73, %dot_general3A_21 : vector<2000x64xf32>
    %add3A_99 = arith.addf %mul3A_97, %mul3A_98 : vector<2000x64xf32>
    %get3A_100 = arith.constant 0 : index
    %get3A_101 = arith.constant 0 : index
    %get3A_102 = vector.load %arg17[%get3A_100, %get3A_101] : memref<1x64xf32, #tpu.memory_space<vmem>>, vector<1x64xf32>
    %mul3A_103 = vector.broadcast %get3A_102 : vector<1x64xf32> to vector<2000x64xf32>
    %mul3A_104 = arith.mulf %add3A_99, %mul3A_103 : vector<2000x64xf32>
    %reduce_sum3A_105 = arith.constant dense<0.000000e+00> : vector<2000xf32>
    %reduce_sum3A_106 = vector.multi_reduction <add>, %mul3A_104, %reduce_sum3A_105 [1] : vector<2000x64xf32> to vector<2000xf32>
    %broadcast_in_dim3A_107 = vector.shape_cast %reduce_sum3A_106 : vector<2000xf32> to vector<2000x1xf32>
    %get3A_108 = arith.constant 0 : index
    %get3A_109 = arith.constant 0 : index
    %get3A_110 = vector.load %arg18[%get3A_108, %get3A_109] : memref<1x1xf32, #tpu.memory_space<vmem>>, vector<1x1xf32>
    %add3A_111 = vector.broadcast %get3A_110 : vector<1x1xf32> to vector<2000x1xf32>
    %add3A_112 = arith.addf %broadcast_in_dim3A_107, %add3A_111 : vector<2000x1xf32>
    %swap3A = arith.constant 0 : index
    %swap3A_113 = arith.constant 0 : index
    %swap3A_114 = arith.constant 0 : index
    %swap3A_115 = vector.load %arg19[%swap3A, %swap3A_113, %swap3A_114] : memref<1x2000x1xf32, #tpu.memory_space<vmem>>, vector<1x2000x1xf32>
    %swap3A_116 = vector.shape_cast %swap3A_115 : vector<1x2000x1xf32> to vector<2000x1xf32>
    %swap3A_117 = vector.shape_cast %add3A_112 : vector<2000x1xf32> to vector<1x2000x1xf32>
    tpu.vector_store %arg19[%swap3A, %swap3A_113, %swap3A_114], %swap3A_117 {strides = array<i32>} : memref<1x2000x1xf32, #tpu.memory_space<vmem>>, vector<1x2000x1xf32>,
    return
  }
  func.func @transform_0(%arg0: i32) -> (i32, i32) {
    %c0_i32 = arith.constant 0 : i32
    %c0_i32_0 = arith.constant 0 : i32
    return %arg0, %c0_i32 : i32, i32
  }
  func.func @transform_1(%arg0: i32) -> (i32, i32, i32) {
    %c0_i32 = arith.constant 0 : i32
    %c0_i32_0 = arith.constant 0 : i32
    %c0_i32_1 = arith.constant 0 : i32
    return %arg0, %c0_i32, %c0_i32_0 : i32, i32, i32
  }
  func.func @transform_2(%arg0: i32) -> (i32, i32) {
    %c0_i32 = arith.constant 0 : i32
    %c0_i32_0 = arith.constant 0 : i32
    %c0_i32_1 = arith.constant 0 : i32
    return %c0_i32, %c0_i32_0 : i32, i32
  }
  func.func @transform_3(%arg0: i32) -> (i32, i32) {
    %c0_i32 = arith.constant 0 : i32
    %c0_i32_0 = arith.constant 0 : i32
    %c0_i32_1 = arith.constant 0 : i32
    return %c0_i32, %c0_i32_0 : i32, i32
  }
  func.func @transform_4(%arg0: i32) -> (i32, i32) {
    %c0_i32 = arith.constant 0 : i32
    %c0_i32_0 = arith.constant 0 : i32
    %c0_i32_1 = arith.constant 0 : i32
    return %c0_i32, %c0_i32_0 : i32, i32
  }
  func.func @transform_5(%arg0: i32) -> (i32, i32) {
    %c0_i32 = arith.constant 0 : i32
    %c0_i32_0 = arith.constant 0 : i32
    %c0_i32_1 = arith.constant 0 : i32
    return %c0_i32, %c0_i32_0 : i32, i32
  }
  func.func @transform_6(%arg0: i32) -> (i32, i32) {
    %c0_i32 = arith.constant 0 : i32
    %c0_i32_0 = arith.constant 0 : i32
    %c0_i32_1 = arith.constant 0 : i32
    return %c0_i32, %c0_i32_0 : i32, i32
  }
  func.func @transform_7(%arg0: i32) -> (i32, i32) {
    %c0_i32 = arith.constant 0 : i32
    %c0_i32_0 = arith.constant 0 : i32
    %c0_i32_1 = arith.constant 0 : i32
    return %c0_i32, %c0_i32_0 : i32, i32
  }
  func.func @transform_8(%arg0: i32) -> (i32, i32) {
    %c0_i32 = arith.constant 0 : i32
    %c0_i32_0 = arith.constant 0 : i32
    %c0_i32_1 = arith.constant 0 : i32
    return %c0_i32, %c0_i32_0 : i32, i32
  }
  func.func @transform_9(%arg0: i32) -> (i32, i32) {
    %c0_i32 = arith.constant 0 : i32
    %c0_i32_0 = arith.constant 0 : i32
    %c0_i32_1 = arith.constant 0 : i32
    return %c0_i32, %c0_i32_0 : i32, i32
  }
  func.func @transform_10(%arg0: i32) -> (i32, i32) {
    %c0_i32 = arith.constant 0 : i32
    %c0_i32_0 = arith.constant 0 : i32
    %c0_i32_1 = arith.constant 0 : i32
    return %c0_i32, %c0_i32_0 : i32, i32
  }
  func.func @transform_11(%arg0: i32) -> (i32, i32) {
    %c0_i32 = arith.constant 0 : i32
    %c0_i32_0 = arith.constant 0 : i32
    %c0_i32_1 = arith.constant 0 : i32
    return %c0_i32, %c0_i32_0 : i32, i32
  }
  func.func @transform_12(%arg0: i32) -> (i32, i32) {
    %c0_i32 = arith.constant 0 : i32
    %c0_i32_0 = arith.constant 0 : i32
    %c0_i32_1 = arith.constant 0 : i32
    return %c0_i32, %c0_i32_0 : i32, i32
  }
  func.func @transform_13(%arg0: i32) -> (i32, i32) {
    %c0_i32 = arith.constant 0 : i32
    %c0_i32_0 = arith.constant 0 : i32
    %c0_i32_1 = arith.constant 0 : i32
    return %c0_i32, %c0_i32_0 : i32, i32
  }
  func.func @transform_14(%arg0: i32) -> (i32, i32) {
    %c0_i32 = arith.constant 0 : i32
    %c0_i32_0 = arith.constant 0 : i32
    %c0_i32_1 = arith.constant 0 : i32
    return %c0_i32, %c0_i32_0 : i32, i32
  }
  func.func @transform_15(%arg0: i32) -> (i32, i32) {
    %c0_i32 = arith.constant 0 : i32
    %c0_i32_0 = arith.constant 0 : i32
    %c0_i32_1 = arith.constant 0 : i32
    return %c0_i32, %c0_i32_0 : i32, i32
  }
  func.func @transform_16(%arg0: i32) -> (i32, i32) {
    %c0_i32 = arith.constant 0 : i32
    %c0_i32_0 = arith.constant 0 : i32
    %c0_i32_1 = arith.constant 0 : i32
    return %c0_i32, %c0_i32_0 : i32, i32
  }
  func.func @transform_17(%arg0: i32) -> (i32, i32) {
    %c0_i32 = arith.constant 0 : i32
    %c0_i32_0 = arith.constant 0 : i32
    %c0_i32_1 = arith.constant 0 : i32
    return %c0_i32, %c0_i32_0 : i32, i32
  }
  func.func @transform_18(%arg0: i32) -> (i32, i32, i32) {
    %c0_i32 = arith.constant 0 : i32
    %c0_i32_0 = arith.constant 0 : i32
    %c0_i32_1 = arith.constant 0 : i32
    return %arg0, %c0_i32, %c0_i32_0 : i32, i32, i32
  }
}

</mosaic_0001>

<sc_bundles>
// kernel: kernel.6.cloned.1.call-start
scs
__scs_entry_jumppad:
0x0: {  	(pc) =	sbr.rel $0x88, $3  }
0x1: {  	(tag) =	ssettag $0x0;
	lr =	simm.s32 $0x1  }
0x2: {  	[smem:$0x3F92] =	sst lr;
	_ =	strace $0xD0000000  }
0x3: {  	_ = 	snop  }
0x4: {  	_ = 	snop  }
0x5: {  	_ = 	snop  }
0x6: {  	_ = 	snop  }
0x7: {  	_ = 	snop  }
__scs_overlays_trampoline_lowered:
0x8: {  	[smem:$0x3FA1] =	sst s0  }
0x9: {  	[smem:$0x3FA2] =	sst s1  }
0xa: {  	[smem:$0x3FA3] =	sst s2  }
0xb: {  	[smem:$0x3FA4] =	sst s3  }
0xc: {  	[smem:$0x3FA5] =	sst s4  }
0xd: {  	[smem:$0x3FA6] =	sst s5  }
0xe: {  	[smem:$0x3FA7] =	sst s6  }
0xf: {  	[smem:$0x3FA8] =	sst s7  }
0x10: {  	[smem:$0x3FA9] =	sst s8  }
0x11: {  	[smem:$0x3FAA] =	sst s9;
	s0 =	simm.s32 @!p0 $0x0  }
0x12: {  	s1 =	sld [smem:$0x3F90];
	s0 =	simm.s32 @p0 $0x1  }
0x13: {  	[smem:$0x3FAB] =	sst s0;
	s0 =	simm.s32 @!p1 $0x0  }
0x14: {  	s2 =	sld [smem:$0x3F8F];
	s0 =	simm.s32 @p1 $0x1  }
0x15: {  	[smem:$0x3FAC] =	sst s0;
	s0 =	simm.s32 @!p2 $0x0  }
0x16: {  	s3 =	sld [smem:$0x3FDB];
	s0 =	simm.s32 @p2 $0x1  }
0x17: {  	s4 =	simm.s32 $0x1BF5;
	[smem:$0x3FAE] =	sst s0  }
0x18: {  	s0 =	sld [smem:$0x3F91];
	_ =	swait.ge [sflag:s4], $0x0  }
0x19: {  	s7 =	sld [smem:$0x3F92]  }
0x1a: {  	s8 =	sadd.s32 $0xFFFFE003, lr  }
0x1b: {  	s9 =	sadd.s32 $0xFFFFFEF7, lr;
	s5 =	simm.s32 $0xFFFFFFFF;
	p2 =	slt.u32 s8, $0xFFFFF086  }
0x1c: {  	p1 =	slt.u32 s9, $0xF7A;
	s5 =	simm.s32 @!p2 $0x0  }
0x1d: {  	s5 =	simm.s32 @p1 $0x1;
	p0 =	seq.s32 s7, s2  }
0x1e: {  	s7 =	smul.u32 @!p0 $0xF7A, s2;
	p2 =	seq.s32 @!p0 s5, $0x0  }
0x1f: {  	s9 =	smul.u32 $0xF7A, s1;
	s8 =	simm.s32 @!p0 $0x1BF5;
	p2 =	por !p2, p0  }
0x20: {  	[sflag:s8] =	ssyncset.s32 @!p0 $0xFFFFF086;
	s6 =	sadd.s32 @!p0 s3, s7;
	s7 =	simm.s32 @!p0 $0x108  }
0x21: {  	s3 =	sadd.s32 s3, s9;
	s6 =	sadd.s32 @!p0 $0x88, s6;
	s7 =	simm.s32 @p2 $0x1082  }
0x22: {  	[simem:s7], [sflag:s8] =	dma.local @!p0 [hbm:s6], $0xF7A  }
0x23: {  	s9 =	sor.u32 $0xD0000000, s2;
	s6 =	simm.s32 $0x108;
	_ =	swait.ge @!p0 [sflag:s8], $0x0  }
0x24: {  	s3 =	sadd.s32 $0x88, s3;
	s6 =	simm.s32 @!p1 $0x1082;
	[sflag:s4] =	ssyncset.s32 $0xFFFFF086  }
0x25: {  	[simem:s6], [sflag:s4] =	dma.local [hbm:s3], $0xF7A  }
0x26: {  	[smem:$0x3F92] =	sst s1;
	(tag) =	ssettag s2;
	_ =	strace s9  }
0x27: {  	s1 =	sld [smem:$0x3FA2]  }
0x28: {  	s2 =	sld [smem:$0x3FA3]  }
0x29: {  	s4 =	sld [smem:$0x3FA5]  }
0x2a: {  	p0 =	seq.s32 s5, $0x0;
	s5 =	sld [smem:$0x3FA6]  }
0x2b: {  	s6 =	sld [smem:$0x3FA7]  }
0x2c: {  	s7 =	sld [smem:$0x3FA8]  }
0x2d: {  	s3 =	simm.s32 $0x108;
	s8 =	sld [smem:$0x3FA9]  }
0x2e: {  	s3 =	simm.s32 @!p0 $0x1082;
	s9 =	sld [smem:$0x3FAA]  }
0x2f: {  	lr =	sadd.s32 s0, s3;
	s0 =	sld [smem:$0x3FA1]  }
0x30: {  	s3 =	sld [smem:$0x3FA4]  }
0x31: {  	[smem:$0x3FAD] =	sst s10  }
0x32: {  	s10 =	sld [smem:$0x3FAB];
	_ =	sdelay $0x3  }
0x33: {  	p0 =	seq.s32 s10, $0x1;
	s10 =	sld [smem:$0x3FAD];
	_ =	sdelay $0x3  }
0x34: {  	[smem:$0x3FAD] =	sst s10  }
0x35: {  	s10 =	sld [smem:$0x3FAC];
	_ =	sdelay $0x3  }
0x36: {  	p1 =	seq.s32 s10, $0x1;
	s10 =	sld [smem:$0x3FAD];
	_ =	sdelay $0x3  }
0x37: {  	[smem:$0x3FAD] =	sst s10  }
0x38: {  	s10 =	sld [smem:$0x3FAE]  }
0x39: {  	_ = 	snop;
	(pc) =	sbr.ind lr, $3  }
0x3a: {  	_ = 	snop  }
0x3b: {  	_ = 	snop  }
0x3c: {  	p2 =	seq.s32 s10, $0x1;
	s10 =	sld [smem:$0x3FAD]  }
0x3d: {  	_ =	shalt  }
0x3e: {  	_ =	shalt  }
0x3f: {  	_ =	shalt  }
0x40: {  	_ =	shalt  }
0x41: {  	_ =	shalt  }
0x42: {  	_ =	shalt  }
0x43: {  	_ =	shalt  }
0x44: {  	_ =	shalt  }
0x45: {  	_ =	shalt  }
0x46: {  	_ =	shalt  }
0x47: {  	_ =	shalt  }
0x48: {  	_ =	shalt  }
0x49: {  	_ =	shalt  }
0x4a: {  	_ =	shalt  }
0x4b: {  	_ =	shalt  }
0x4c: {  	_ =	shalt  }
0x4d: {  	_ =	shalt  }
0x4e: {  	_ =	shalt  }
0x4f: {  	_ =	shalt  }
0x50: {  	_ =	shalt  }
0x51: {  	_ =	shalt  }
0x52: {  	_ =	shalt  }
0x53: {  	_ =	shalt  }
0x54: {  	_ =	shalt  }
0x55: {  	_ =	shalt  }
0x56: {  	_ =	shalt  }
0x57: {  	_ =	shalt  }
0x58: {  	_ =	shalt  }
0x59: {  	_ =	shalt  }
0x5a: {  	_ =	shalt  }
0x5b: {  	_ =	shalt  }
0x5c: {  	_ =	shalt  }
0x5d: {  	_ =	shalt  }
0x5e: {  	_ =	shalt  }
0x5f: {  	_ =	shalt  }
0x60: {  	_ =	shalt  }
0x61: {  	_ =	shalt  }
0x62: {  	_ =	shalt  }
0x63: {  	_ =	shalt  }
0x64: {  	_ =	shalt  }
0x65: {  	_ =	shalt  }
0x66: {  	_ =	shalt  }
0x67: {  	_ =	shalt  }
0x68: {  	_ =	shalt  }
0x69: {  	_ =	shalt  }
0x6a: {  	_ =	shalt  }
0x6b: {  	_ =	shalt  }
0x6c: {  	_ =	shalt  }
0x6d: {  	_ =	shalt  }
0x6e: {  	_ =	shalt  }
0x6f: {  	_ =	shalt  }
0x70: {  	_ =	shalt  }
0x71: {  	_ =	shalt  }
0x72: {  	_ =	shalt  }
0x73: {  	_ =	shalt  }
0x74: {  	_ =	shalt  }
0x75: {  	_ =	shalt  }
0x76: {  	_ =	shalt  }
0x77: {  	_ =	shalt  }
0x78: {  	_ =	shalt  }
0x79: {  	_ =	shalt  }
0x7a: {  	_ =	shalt  }
0x7b: {  	_ =	shalt  }
0x7c: {  	_ =	shalt  }
0x7d: {  	_ =	shalt  }
0x7e: {  	_ =	shalt  }
0x7f: {  	_ =	shalt  }
0x80: {  	_ =	shalt  }
0x81: {  	_ =	shalt  }
0x82: {  	_ =	shalt  }
0x83: {  	_ =	shalt  }
0x84: {  	_ =	shalt  }
0x85: {  	_ =	shalt  }
0x86: {  	_ =	shalt  }
0x87: {  	_ =	shalt  }
.Lfunc_end0:
.L_simem_size_0:
called_computation_lowered:
.L_overlay_start_0:
0x88: {  	s2 =	sld [smem:$0x3FD9]  }
0x89: {  	s3 =	sld [smem:$0x3FFE];
	_ =	sdelay $0x1  }
0x8a: {  	s1 =	srdreg.scid  }
0x8b: {  	s0 =	sand.u32 $0x1, s1  }
0x8c: {  	s17 =	sshll.u32 s0, $0xA;
	s2 =	sadd.s32 s3, s2  }
0x8d: {  	s2 =	sadd.s32 s2, s17  }
0x8e: {  	[smem:$0x3FB9] =	sst s2  }
0x8f: {  	_ = 	snop  }
0x90: {  	s2 =	sld [smem:$0x3FC9]  }
0x91: {  	s18 =	sld [smem:$0x3FC7];
	(tm) =	ssettm $0x1  }
0x92: {  	s4 =	sld [smem:$0x3FFB];
	_ =	sdelay $0x3  }
0x93: {  	_ =	strace s4  }
0x94: {  	s4 =	sld [smem:$0x3FFC];
	_ =	sdelay $0x3  }
0x95: {  	_ =	strace s4  }
0x96: {  	s4 =	sld [smem:$0x3FFD];
	_ =	sdelay $0x3  }
0x97: {  	_ =	strace s4  }
0x98: {  	_ =	strace $0x8FFFFFFF  }
0x99: {  	s19 =	sld [smem:$0x3FDB];
	_ =	sdelay $0x1  }
0x9a: {  	s5 =	simm.s32 $_scs_section_size  }
0x9b: {  	s6 =	simm.s32 $_size__tile_overlayer_lowered;
	s7 =	simm.s32 $_tile_overlayer_lowered  }
0x9c: {  	s22 =	simm.s32 $0x1BFF;
	s21 =	sshll.u32 s7, $0x1;
	s4 =	sadd.s32 s5, s19  }
0x9d: {  	s8 =	simm.s32 $0x0;
	s20 =	sshll.u32 s6, $0x1;
	s6 =	sadd.s32 s21, s4  }
0x9e: {  	[timem:s8], [sflag:s22] =	dma.local [hbm:s6], s20  }
0x9f: {  	_ =	swait.ge [sflag:s22], s20  }
0xa0: {  	s5 =	ssub.s32 $0x0, s20;
	[sflag:s22] =	ssyncset.done $0x0  }
0xa1: {  	[sflag:s22] =	ssyncadd.s32 s5;
	_ =	sdelay $0x1  }
0xa2: {  	s23 =	simm.s32 $0x1B8B  }
0xa3: {  	_ =	swait.ge [sflag:s23], $0x1  }
0xa4: {  	[sflag:s23] =	ssyncset.done $0x0  }
0xa5: {  	s25 =	simm.s32 $0x1B8E;
	s24 =	sld [smem:$0x3FFE];
	[sflag:s23] =	ssyncadd.s32 $0xFFFFFFFF  }
0xa6: {  	s26 =	simm.s32 $execute0_lowered;
	[smem:$0x3FD2] =	sst s25  }
0xa7: {  	s6 =	sshll.u32 s26, $0x1;
	_ =	strace $0x80000046;
	[dreg:$0x1] =	wrdreg $0xFFFFFFFF  }
0xa8: {  	s28 =	simm.s32 $_size_execute0_lowered;
	s4 =	sadd.s32 s4, s6;
	[dreg:$0x0] =	wrdreg $0x0  }
0xa9: {  	s6 =	sshll.u32 s28, $0x1;
	[dreg:$0x2] =	wrdreg s4  }
0xaa: {  	[dreg:$0x3] =	wrdreg s6  }
0xab: {  	[dreg:$0x4] =	wrdreg $0xC0  }
0xac: {  	_ =	task [dreg:s8], $0x5FFFF  }
0xad: {  	[dreg:$0x1] =	wrdreg $0xFFFFFFFF  }
0xae: {  	[dreg:$0x0] =	wrdreg $0x60  }
0xaf: {  	[dreg:$0x2] =	wrdreg s24  }
0xb0: {  	[dreg:$0x3] =	wrdreg s18  }
0xb1: {  	[dreg:$0x4] =	wrdreg s2  }
0xb2: {  	[dreg:$0x5] =	wrdreg $0x9  }
0xb3: {  	_ =	task.clear_ibuf [dreg:s8], $0x6FFFF;
	_ =	strace $0x90000046  }
0xb4: {  	s29 =	simm.s32 $0x9;
	_ =	strace $0x80000048  }
0xb5: {  	_ =	swait.ge [sflag:s29], $0x1  }
0xb6: {  	[sflag:s29] =	ssyncadd.s32 $0xFFFFFFFF  }
0xb7: {  	_ =	strace $0x90000048  }
0xb8: {  	_ =	sfence  }
0xb9: {  	s30 =	sld [smem:$0x0];
	_ =	sdelay $0x2  }
0xba: {  	s31 =	sshll.u32 s1, $0xD;
	s1 =	sshrl.u32 s1, $0x2  }
0xbb: {  	s3 =	sand.u32 $0x4000, s31;
	s1 =	sadd.s32 s1, s30  }
0xbc: {  	s0 =	sor.u32 s3, s0;
	s1 =	sshll.u32 s1, $0x11  }
0xbd: {  	s0 =	sor.u32 s1, s0  }
0xbe: {  	s0 =	sadd.s32 $0x8F2B, s0  }
0xbf: {  	[sflag:s0] =	ssyncadd.remote.s32 $0x1  }
0xc0: {  	_ =	sfence.sel $0xFFFF  }
0xc1: {  	[dreg:$0x0] =	wrdreg $0xFFFFFFFF;
	(pc) =	sbr.abs _section_cstart, $3  }
0xc2: {  	[dreg:$0x1] =	wrdreg $0xFFFFFFFF  }
0xc3: {  	_ =	task.clear_ibuf [dreg:s8], $0x2FFFF;
	_ =	strace $0x9FFFFFFF  }
0xc4: {  	(tm) =	ssettm $0x7FFFFFFF  }
0xc5: {  	_ =	shalt  }
tec
execute0_lowered:
.L_overlay_start_1:
0x0: {  	(tag) =	ssettag $0x1  }
0x1: {  	s8 =	rddreg [dreg:$0x0]  }
0x2: {  	s1 =	rddreg [dreg:$0x1]  }
0x3: {  	s2 =	rddreg [dreg:$0x2]  }
0x4: {  	s0 =	rddreg [dreg:$0x3];
	s4 =	simm.s32 $0x0;
	s5 =	srdreg.scid  }
0x5: {  	s3 =	stileid.u32;
	s11 =	simm.s32 $0x1;
	s12 =	simm.s32 $0xC350  }
0x6: {  	s13 =	simm.s32 $0xCFD0;
	s14 =	simm.s32 $0xDC50;
	s15 =	simm.s32 $0xE8D0  }
0x7: {  	s16 =	simm.s32 $0x0;
	[smem:$0x7FF] =	sst s4;
	s6 =	sand.u32 $0x1, s5  }
0x8: {  	s7 =	sshll.u32 s3, $0x1;
	s5 =	sadd.s32 $0x1A000, s8;
	s9 =	ssub.s32 $0x2, s6  }
0x9: {  	_ =	strace $0x80000047;
	s6 =	sor.u32 s7, s6;
	s10 =	sshrl.u32 s9, $0x1  }
0xa: {  	s7 =	sadd.s32 $0x1800, s8;
	s31 =	ssub.s32 $0x119, s6;
	s10 =	ssub.s32 s9, s10  }
0xb: {  	s8 =	sadd.s32 $0x32800, s8;
	s9 =	sshrl.u32 s31, $0x5;
	s10 =	smax.u32 s10, $0x1  }
.LBB2_1:
0xc: {  	[tilespmem:s4], [sflag:$0x1] =	stream.linear.gather [hbm4b:s2+s4], $0xC350, $0x38;
	[tilespmem:$0xF550] =	vst v63  }
0xd: {  	_ =	swait.ge [sflag:s11], $0xC350  }
0xe: {  	[sflag:s11] =	ssyncset.done $0x0  }
0xf: {  	s17 =	simm.s32 $0x0;
	[sflag:s11] =	ssyncadd.s32 $0xFFFF3CB0  }
.LBB2_2:
0x10: {  	s18 =	sshll.u32 s17, $0x5  }
0x11: {  	s18 =	sor.u32 s6, s18  }
0x12: {  	s18 =	smul.u32 $0xC80, s18;
	_ =	sdelay $0x1  }
0x13: {  	s18 =	sshrl.u32 s18, $0x3  }
0x14: {  	s20 =	simm.s32 $0x0;
	s19 =	sadd.s32 s5, s18  }
0x15: {  	[tilespmem:s12], [sflag:$0x1] =	stream.linear.gather [hbm4b:s19+s20], $0xC80, $0x38;
	[tilespmem:$0xF550] =	vst v63  }
0x16: {  	_ =	swait.ge [sflag:s11], $0xC80  }
0x17: {  	[sflag:s11] =	ssyncset.done $0x0  }
0x18: {  	s30 =	sadd.s32 s7, s18;
	[sflag:s11] =	ssyncadd.s32 $0xFFFFF380  }
0x19: {  	[tilespmem:s13], [sflag:$0x1] =	stream.linear.gather [hbm4b:s30+s20], $0xC80, $0x38;
	[tilespmem:$0xF550] =	vst v63  }
0x1a: {  	_ =	swait.ge [sflag:s11], $0xC80  }
0x1b: {  	[sflag:s11] =	ssyncset.done $0x0  }
0x1c: {  	s31 =	sadd.s32 s1, s18;
	[sflag:s11] =	ssyncadd.s32 $0xFFFFF380  }
0x1d: {  	[tilespmem:s14], [sflag:$0x1] =	stream.linear.gather [hbm4b:s31+s20], $0xC80, $0x38;
	[tilespmem:$0xF550] =	vst v63  }
0x1e: {  	_ =	swait.ge [sflag:s11], $0xC80  }
0x1f: {  	[sflag:s11] =	ssyncset.done $0x0  }
0x20: {  	s20 =	simm.s32 $0x0;
	[sflag:s11] =	ssyncadd.s32 $0xFFFFF380  }
0x21: {  	v0 =	vld [tilespmem:s20+$0xC350];
	_ =	sdelay $0x6  }
0x22: {  	v1 =	vld [tilespmem:s20+$0xCFD0]  }
0x23: {  	s21 =	simm.s32 $0x80;
	s19 =	simm.s32 $0x10;
	v0 =	vld.idx.msk [tilespmem:v0+s4+$0x0], $0xffff  }
.LBB2_3:
0x24: {  	p0 =	sne.s32 s21, $0x31C0;
	v2 =	vld [tilespmem:s19+$0xC350]  }
0x25: {  	v3 =	vld [tilespmem:s20+$0xDC50];
	_ =	sdelay $0x2  }
0x26: {  	v0 =	vshll.u32 v0, $0x4;
	v1 =	vshll.u32 v1, $0x9  }
.Ltmp0:
0x27: {  	v0 =	vadd.s32 v0, v1;
	(pc) =	sbr.rel @p0 .LBB2_3-.Ltmp0, $4  }
0x28: {  	v0 =	vadd.s32 v3, v0  }
0x29: {  	[tilespmem:s20+$0xE8D0] =	vst v0;
	s20 =	smov.u32 s19  }
0x2a: {  	v0 =	vld.idx.msk [tilespmem:v2+s4+$0x0], $0xffff  }
0x2b: {  	s19 =	sshra.s32 s21, $0x2;
	s21 =	sadd.s32 $0x40, s21;
	v1 =	vld [tilespmem:s20+$0xCFD0]  }
0x2c: {  	v2 =	vld [tilespmem:s19+$0xC350]  }
0x2d: {  	v3 =	vld [tilespmem:s20+$0xDC50];
	_ =	sdelay $0x2  }
0x2e: {  	v0 =	vshll.u32 v0, $0x4;
	v1 =	vshll.u32 v1, $0x9  }
0x2f: {  	v0 =	vadd.s32 v0, v1  }
0x30: {  	v0 =	vadd.s32 v3, v0  }
0x31: {  	[tilespmem:s20+$0xE8D0] =	vst v0  }
0x32: {  	v0 =	vld.idx.msk [tilespmem:v2+s4+$0x0], $0xffff  }
0x33: {  	v62 =	vld [tilespmem:s19+$0xCFD0];
	_ =	sdelay $0x1  }
0x34: {  	v63 =	vld [tilespmem:s19+$0xDC50];
	_ =	sdelay $0x2  }
0x35: {  	v1 =	vshll.u32 v62, $0x9;
	v0 =	vshll.u32 v0, $0x4  }
0x36: {  	s17 =	sadd.s32 $0x1, s17;
	v0 =	vadd.s32 v0, v1  }
0x37: {  	p0 =	sne.s32 s17, s9;
	v0 =	vadd.s32 v63, v0  }
.Ltmp1:
0x38: {  	s18 =	sadd.s32 s8, s18;
	[tilespmem:s19+$0xE8D0] =	vst v0;
	(pc) =	sbr.rel @p0 .LBB2_2-.Ltmp1, $4  }
0x39: {  	[hbm4b:s18+s4] =	stream.linear.scatter [tilespmem:s15], [sflag:$0x1], $0xC80, $0x38;
	[tilespmem:$0xF550] =	vst v63  }
0x3a: {  	_ =	swait.ge [sflag:s11], $0xC80  }
0x3b: {  	[sflag:s11] =	ssyncset.done $0x0  }
0x3c: {  	[sflag:s11] =	ssyncadd.s32 $0xFFFFF380  }
0x3d: {  	s16 =	sadd.s32 $0x1, s16  }
0x3e: {  	p0 =	sne.s32 s16, s10  }
.Ltmp2:
0x3f: {  	_ = 	snop;
	(pc) =	sbr.rel @p0 .LBB2_1-.Ltmp2, $1  }
0x40: {  	_ =	sdelay $0x3  }
0x41: {  	_ =	sfence.sel $0x180000  }
0x42: {  	[bflag:$0x0] =	sbarrier.arrive $0xFFFF  }
0x43: {  	p0 =	sne.s32 s3, $0x0;
	_ =	strace $0x90000047  }
0x44: {  	s0 =	sadd.s32 @!p0 $0x100000, s0;
	[bflag:$0x2] =	sbarrier.arrive $0xFFFF  }
0x45: {  	[sflag:s0] =	ssyncadd.tile.s32 @!p0 $0x1;
	_ =	shalt  }
.Lfunc_end2:
_tile_overlayer_lowered:
.L_overlay_start_2:
0x46: {  	(tag) =	ssettag $0x2  }
0x47: {  	s0 =	rddreg [dreg:$0x0];
	s2 =	stileid.u32  }
0x48: {  	s1 =	rddreg [dreg:$0x1];
	p0 =	sne.s32 s2, $0x0  }
0x49: {  	s3 =	rddreg [dreg:$0x2];
	[bflag:$0x3] =	sbarrier.arrive $0xFFFF;
	s2 =	simm.s32 @!p0 $0x1C01  }
0x4a: {  	[timem:s3], [sflag:s2] =	dma.local @!p0 [hbm:s0], s1  }
0x4b: {  	s0 =	simm.s32 @!p0 $0x1  }
0x4c: {  	_ =	swait.ge @!p0 [sflag:s0], s1  }
0x4d: {  	s1 =	ssub.s32 @!p0 $0x0, s1;
	[sflag:s0] =	ssyncset.done @!p0 $0x0  }
0x4e: {  	[sflag:s0] =	ssyncadd.s32 @!p0 s1  }
0x4f: {  	[bflag:$0x3] =	sbarrier.arrive $0xFFFF  }
0x50: {  	_ =	shalt  }

// kernel: kernel.9.cloned.1.call-start
scs
__scs_entry_jumppad:
0x0: {  	(pc) =	sbr.rel $0x88, $3  }
0x1: {  	(tag) =	ssettag $0x0;
	lr =	simm.s32 $0x1  }
0x2: {  	[smem:$0x3F92] =	sst lr;
	_ =	strace $0xD0000000  }
0x3: {  	_ = 	snop  }
0x4: {  	_ = 	snop  }
0x5: {  	_ = 	snop  }
0x6: {  	_ = 	snop  }
0x7: {  	_ = 	snop  }
__scs_overlays_trampoline_lowered:
0x8: {  	[smem:$0x3FA1] =	sst s0  }
0x9: {  	[smem:$0x3FA2] =	sst s1  }
0xa: {  	[smem:$0x3FA3] =	sst s2  }
0xb: {  	[smem:$0x3FA4] =	sst s3  }
0xc: {  	[smem:$0x3FA5] =	sst s4  }
0xd: {  	[smem:$0x3FA6] =	sst s5  }
0xe: {  	[smem:$0x3FA7] =	sst s6  }
0xf: {  	[smem:$0x3FA8] =	sst s7  }
0x10: {  	[smem:$0x3FA9] =	sst s8  }
0x11: {  	[smem:$0x3FAA] =	sst s9;
	s0 =	simm.s32 @!p0 $0x0  }
0x12: {  	s1 =	sld [smem:$0x3F90];
	s0 =	simm.s32 @p0 $0x1  }
0x13: {  	[smem:$0x3FAB] =	sst s0;
	s0 =	simm.s32 @!p1 $0x0  }
0x14: {  	s2 =	sld [smem:$0x3F8F];
	s0 =	simm.s32 @p1 $0x1  }
0x15: {  	[smem:$0x3FAC] =	sst s0;
	s0 =	simm.s32 @!p2 $0x0  }
0x16: {  	s3 =	sld [smem:$0x3FDB];
	s0 =	simm.s32 @p2 $0x1  }
0x17: {  	s4 =	simm.s32 $0x1BF5;
	[smem:$0x3FAE] =	sst s0  }
0x18: {  	s0 =	sld [smem:$0x3F91];
	_ =	swait.ge [sflag:s4], $0x0  }
0x19: {  	s7 =	sld [smem:$0x3F92]  }
0x1a: {  	s8 =	sadd.s32 $0xFFFFE003, lr  }
0x1b: {  	s9 =	sadd.s32 $0xFFFFFEF7, lr;
	s5 =	simm.s32 $0xFFFFFFFF;
	p2 =	slt.u32 s8, $0xFFFFF086  }
0x1c: {  	p1 =	slt.u32 s9, $0xF7A;
	s5 =	simm.s32 @!p2 $0x0  }
0x1d: {  	s5 =	simm.s32 @p1 $0x1;
	p0 =	seq.s32 s7, s2  }
0x1e: {  	s7 =	smul.u32 @!p0 $0xF7A, s2;
	p2 =	seq.s32 @!p0 s5, $0x0  }
0x1f: {  	s9 =	smul.u32 $0xF7A, s1;
	s8 =	simm.s32 @!p0 $0x1BF5;
	p2 =	por !p2, p0  }
0x20: {  	[sflag:s8] =	ssyncset.s32 @!p0 $0xFFFFF086;
	s6 =	sadd.s32 @!p0 s3, s7;
	s7 =	simm.s32 @!p0 $0x108  }
0x21: {  	s3 =	sadd.s32 s3, s9;
	s6 =	sadd.s32 @!p0 $0x88, s6;
	s7 =	simm.s32 @p2 $0x1082  }
0x22: {  	[simem:s7], [sflag:s8] =	dma.local @!p0 [hbm:s6], $0xF7A  }
0x23: {  	s9 =	sor.u32 $0xD0000000, s2;
	s6 =	simm.s32 $0x108;
	_ =	swait.ge @!p0 [sflag:s8], $0x0  }
0x24: {  	s3 =	sadd.s32 $0x88, s3;
	s6 =	simm.s32 @!p1 $0x1082;
	[sflag:s4] =	ssyncset.s32 $0xFFFFF086  }
0x25: {  	[simem:s6], [sflag:s4] =	dma.local [hbm:s3], $0xF7A  }
0x26: {  	[smem:$0x3F92] =	sst s1;
	(tag) =	ssettag s2;
	_ =	strace s9  }
0x27: {  	s1 =	sld [smem:$0x3FA2]  }
0x28: {  	s2 =	sld [smem:$0x3FA3]  }
0x29: {  	s4 =	sld [smem:$0x3FA5]  }
0x2a: {  	p0 =	seq.s32 s5, $0x0;
	s5 =	sld [smem:$0x3FA6]  }
0x2b: {  	s6 =	sld [smem:$0x3FA7]  }
0x2c: {  	s7 =	sld [smem:$0x3FA8]  }
0x2d: {  	s3 =	simm.s32 $0x108;
	s8 =	sld [smem:$0x3FA9]  }
0x2e: {  	s3 =	simm.s32 @!p0 $0x1082;
	s9 =	sld [smem:$0x3FAA]  }
0x2f: {  	lr =	sadd.s32 s0, s3;
	s0 =	sld [smem:$0x3FA1]  }
0x30: {  	s3 =	sld [smem:$0x3FA4]  }
0x31: {  	[smem:$0x3FAD] =	sst s10  }
0x32: {  	s10 =	sld [smem:$0x3FAB];
	_ =	sdelay $0x3  }
0x33: {  	p0 =	seq.s32 s10, $0x1;
	s10 =	sld [smem:$0x3FAD];
	_ =	sdelay $0x3  }
0x34: {  	[smem:$0x3FAD] =	sst s10  }
0x35: {  	s10 =	sld [smem:$0x3FAC];
	_ =	sdelay $0x3  }
0x36: {  	p1 =	seq.s32 s10, $0x1;
	s10 =	sld [smem:$0x3FAD];
	_ =	sdelay $0x3  }
0x37: {  	[smem:$0x3FAD] =	sst s10  }
0x38: {  	s10 =	sld [smem:$0x3FAE]  }
0x39: {  	_ = 	snop;
	(pc) =	sbr.ind lr, $3  }
0x3a: {  	_ = 	snop  }
0x3b: {  	_ = 	snop  }
0x3c: {  	p2 =	seq.s32 s10, $0x1;
	s10 =	sld [smem:$0x3FAD]  }
0x3d: {  	_ =	shalt  }
0x3e: {  	_ =	shalt  }
0x3f: {  	_ =	shalt  }
0x40: {  	_ =	shalt  }
0x41: {  	_ =	shalt  }
0x42: {  	_ =	shalt  }
0x43: {  	_ =	shalt  }
0x44: {  	_ =	shalt  }
0x45: {  	_ =	shalt  }
0x46: {  	_ =	shalt  }
0x47: {  	_ =	shalt  }
0x48: {  	_ =	shalt  }
0x49: {  	_ =	shalt  }
0x4a: {  	_ =	shalt  }
0x4b: {  	_ =	shalt  }
0x4c: {  	_ =	shalt  }
0x4d: {  	_ =	shalt  }
0x4e: {  	_ =	shalt  }
0x4f: {  	_ =	shalt  }
0x50: {  	_ =	shalt  }
0x51: {  	_ =	shalt  }
0x52: {  	_ =	shalt  }
0x53: {  	_ =	shalt  }
0x54: {  	_ =	shalt  }
0x55: {  	_ =	shalt  }
0x56: {  	_ =	shalt  }
0x57: {  	_ =	shalt  }
0x58: {  	_ =	shalt  }
0x59: {  	_ =	shalt  }
0x5a: {  	_ =	shalt  }
0x5b: {  	_ =	shalt  }
0x5c: {  	_ =	shalt  }
0x5d: {  	_ =	shalt  }
0x5e: {  	_ =	shalt  }
0x5f: {  	_ =	shalt  }
0x60: {  	_ =	shalt  }
0x61: {  	_ =	shalt  }
0x62: {  	_ =	shalt  }
0x63: {  	_ =	shalt  }
0x64: {  	_ =	shalt  }
0x65: {  	_ =	shalt  }
0x66: {  	_ =	shalt  }
0x67: {  	_ =	shalt  }
0x68: {  	_ =	shalt  }
0x69: {  	_ =	shalt  }
0x6a: {  	_ =	shalt  }
0x6b: {  	_ =	shalt  }
0x6c: {  	_ =	shalt  }
0x6d: {  	_ =	shalt  }
0x6e: {  	_ =	shalt  }
0x6f: {  	_ =	shalt  }
0x70: {  	_ =	shalt  }
0x71: {  	_ =	shalt  }
0x72: {  	_ =	shalt  }
0x73: {  	_ =	shalt  }
0x74: {  	_ =	shalt  }
0x75: {  	_ =	shalt  }
0x76: {  	_ =	shalt  }
0x77: {  	_ =	shalt  }
0x78: {  	_ =	shalt  }
0x79: {  	_ =	shalt  }
0x7a: {  	_ =	shalt  }
0x7b: {  	_ =	shalt  }
0x7c: {  	_ =	shalt  }
0x7d: {  	_ =	shalt  }
0x7e: {  	_ =	shalt  }
0x7f: {  	_ =	shalt  }
0x80: {  	_ =	shalt  }
0x81: {  	_ =	shalt  }
0x82: {  	_ =	shalt  }
0x83: {  	_ =	shalt  }
0x84: {  	_ =	shalt  }
0x85: {  	_ =	shalt  }
0x86: {  	_ =	shalt  }
0x87: {  	_ =	shalt  }
.Lfunc_end0:
.L_simem_size_0:
called_computation.1_lowered:
.L_overlay_start_0:
0x88: {  	s2 =	sld [smem:$0x3FD9]  }
0x89: {  	s3 =	sld [smem:$0x3FFE];
	_ =	sdelay $0x1  }
0x8a: {  	s1 =	srdreg.scid  }
0x8b: {  	s0 =	sand.u32 $0x1, s1  }
0x8c: {  	s16 =	sshll.u32 s0, $0xA;
	s2 =	sadd.s32 s3, s2  }
0x8d: {  	s2 =	sadd.s32 s2, s16  }
0x8e: {  	[smem:$0x3FB9] =	sst s2  }
0x8f: {  	_ = 	snop  }
0x90: {  	(tm) =	ssettm $0x1  }
0x91: {  	s17 =	sld [smem:$0x3FFB];
	_ =	sdelay $0x3  }
0x92: {  	_ =	strace s17  }
0x93: {  	s2 =	sld [smem:$0x3FFC];
	_ =	sdelay $0x3  }
0x94: {  	_ =	strace s2  }
0x95: {  	s2 =	sld [smem:$0x3FFD];
	_ =	sdelay $0x3  }
0x96: {  	_ =	strace s2  }
0x97: {  	_ =	strace $0x8FFFFFFF  }
0x98: {  	s18 =	sld [smem:$0x3FDB];
	_ =	sdelay $0x1  }
0x99: {  	s19 =	simm.s32 $_scs_section_size  }
0x9a: {  	s4 =	simm.s32 $_size__tile_overlayer_lowered;
	s5 =	simm.s32 $_tile_overlayer_lowered  }
0x9b: {  	s22 =	simm.s32 $0x1BFF;
	s21 =	sshll.u32 s5, $0x1;
	s2 =	sadd.s32 s19, s18  }
0x9c: {  	s6 =	simm.s32 $0x0;
	s20 =	sshll.u32 s4, $0x1;
	s4 =	sadd.s32 s21, s2  }
0x9d: {  	[timem:s6], [sflag:s22] =	dma.local [hbm:s4], s20  }
0x9e: {  	_ =	swait.ge [sflag:s22], s20  }
0x9f: {  	s3 =	ssub.s32 $0x0, s20;
	[sflag:s22] =	ssyncset.done $0x0  }
0xa0: {  	[sflag:s22] =	ssyncadd.s32 s3;
	_ =	sdelay $0x1  }
0xa1: {  	s23 =	simm.s32 $0x1B8B  }
0xa2: {  	_ =	swait.ge [sflag:s23], $0x1  }
0xa3: {  	[sflag:s23] =	ssyncset.done $0x0  }
0xa4: {  	s25 =	simm.s32 $0x1B8E;
	s24 =	sld [smem:$0x3FFE];
	[sflag:s23] =	ssyncadd.s32 $0xFFFFFFFF  }
0xa5: {  	s26 =	simm.s32 $execute0_lowered;
	[smem:$0x3FD2] =	sst s25  }
0xa6: {  	s4 =	sshll.u32 s26, $0x1;
	_ =	strace $0x80000049;
	[dreg:$0x1] =	wrdreg $0xFFFFFFFF  }
0xa7: {  	s28 =	simm.s32 $_size_execute0_lowered;
	s2 =	sadd.s32 s2, s4;
	[dreg:$0x0] =	wrdreg $0x0  }
0xa8: {  	s4 =	sshll.u32 s28, $0x1;
	[dreg:$0x2] =	wrdreg s2  }
0xa9: {  	[dreg:$0x3] =	wrdreg s4  }
0xaa: {  	[dreg:$0x4] =	wrdreg $0xC0  }
0xab: {  	_ =	task [dreg:s6], $0x5FFFF  }
0xac: {  	[dreg:$0x1] =	wrdreg $0xFFFFFFFF  }
0xad: {  	[dreg:$0x0] =	wrdreg $0x60  }
0xae: {  	[dreg:$0x2] =	wrdreg s24  }
0xaf: {  	[dreg:$0x3] =	wrdreg $0x9  }
0xb0: {  	_ =	task.clear_ibuf [dreg:s6], $0x4FFFF;
	_ =	strace $0x90000049  }
0xb1: {  	s29 =	simm.s32 $0x9;
	_ =	strace $0x8000004B  }
0xb2: {  	_ =	swait.ge [sflag:s29], $0x1  }
0xb3: {  	[sflag:s29] =	ssyncadd.s32 $0xFFFFFFFF  }
0xb4: {  	_ =	strace $0x9000004B  }
0xb5: {  	_ =	sfence  }
0xb6: {  	s30 =	sld [smem:$0x0];
	_ =	sdelay $0x2  }
0xb7: {  	s31 =	sshll.u32 s1, $0xD;
	s1 =	sshrl.u32 s1, $0x2  }
0xb8: {  	s3 =	sand.u32 $0x4000, s31;
	s1 =	sadd.s32 s1, s30  }
0xb9: {  	s0 =	sor.u32 s3, s0;
	s1 =	sshll.u32 s1, $0x11  }
0xba: {  	s0 =	sor.u32 s1, s0  }
0xbb: {  	s0 =	sadd.s32 $0x8F2B, s0  }
0xbc: {  	[sflag:s0] =	ssyncadd.remote.s32 $0x1  }
0xbd: {  	_ =	sfence.sel $0xFFFF  }
0xbe: {  	[dreg:$0x0] =	wrdreg $0xFFFFFFFF;
	(pc) =	sbr.abs _section_cstart, $3  }
0xbf: {  	[dreg:$0x1] =	wrdreg $0xFFFFFFFF  }
0xc0: {  	_ =	task.clear_ibuf [dreg:s6], $0x2FFFF;
	_ =	strace $0x9FFFFFFF  }
0xc1: {  	(tm) =	ssettm $0x7FFFFFFF  }
tec
execute0_lowered:
.L_overlay_start_1:
0x0: {  	(tag) =	ssettag $0x1  }
0x1: {  	s5 =	rddreg [dreg:$0x0]  }
0x2: {  	s2 =	srdreg.scid;
	s0 =	rddreg [dreg:$0x1]  }
0x3: {  	s1 =	simm.s32 $0x0;
	s3 =	stileid.u32;
	s2 =	sand.u32 $0x1, s2  }
0x4: {  	s8 =	simm.s32 $0x1C000;
	s9 =	simm.s32 $0x1;
	s6 =	ssub.s32 $0x2, s2  }
0x5: {  	s10 =	simm.s32 $0x0;
	[smem:$0x7FF] =	sst s1;
	s7 =	sshrl.u32 s6, $0x1  }
0x6: {  	s4 =	sadd.s32 $0x32800, s5;
	s5 =	sadd.s32 $0x4B000, s5;
	s7 =	ssub.s32 s6, s7  }
0x7: {  	v0 =	vimm.f32 $0.0e+00;
	v1 =	vimm.f32 $1.000000000e+00;
	_ =	strace $0x8000004A;
	s6 =	sshll.u32 s3, $0x1;
	s7 =	smax.u32 s7, $0x1  }
.LBB2_1:
0x8: {  	s11 =	simm.s32 $0x0  }
.LBB2_2:
0x9: {  	s12 =	simm.s32 $0x40;
	s13 =	simm.s32 $0x0  }
.LBB2_3:
0xa: {  	p0 =	seq.s32 s12, $0x6FFC0;
	[tilespmem:s13+$0x0] =	vst v0;
	s13 =	smov.u32 s12;
	s12 =	sadd.s32 $0x40, s12  }
.Ltmp0:
0xb: {  	(pc) =	sbr.rel @!p0 .LBB2_3-.Ltmp0, $2  }
0xc: {  	_ =	sdelay $0x2  }
0xd: {  	s13 =	sshra.s32 s13, $0x2  }
0xe: {  	s12 =	sshll.u32 s11, $0x5  }
0xf: {  	s12 =	sor.u32 s12, s6  }
0x10: {  	s12 =	sor.u32 s2, s12  }
0x11: {  	s31 =	smul.u32 $0x1C000, s12;
	_ =	sdelay $0x1  }
0x12: {  	[tilespmem:s13+$0x0] =	vst v0;
	s13 =	simm.s32 $0x0;
	v2 =	vmov s31  }
.LBB2_5:
0x13: {  	s14 =	smul.u32 $0x7D0, s13;
	_ =	sdelay $0x1  }
0x14: {  	s14 =	sadd.s32 s4, s14  }
0x15: {  	[tilespmem:s8], [sflag:$0x1] =	stream.linear.gather [hbm4b:s14+s1], $0x3E80, $0x38;
	[tilespmem:$0x1FE80] =	vst v63  }
0x16: {  	_ =	swait.ge [sflag:s9], $0x3E80  }
0x17: {  	[sflag:s9] =	ssyncset.done $0x0  }
0x18: {  	s31 =	simm.s32 $0x1C040;
	[sflag:s9] =	ssyncadd.s32 $0xFFFFC180  }
0x19: {  	v3 =	vld [tilespmem:s31+$0x30]  }
0x1a: {  	v5 =	vld [tilespmem:s31+$0xFFFFFFD0]  }
0x1b: {  	v6 =	vld [tilespmem:s31+$0xFFFFFFE0]  }
0x1c: {  	v10 =	vld [tilespmem:s31+$0xFFFFFFF0]  }
0x1d: {  	v12 =	vld [tilespmem:s31+$0x0]  }
0x1e: {  	v16 =	vld [tilespmem:s31+$0x10]  }
0x1f: {  	v14 =	vld [tilespmem:s31+$0xFFFFFFC0]  }
0x20: {  	v17 =	vld [tilespmem:s31+$0x20]  }
0x21: {  	v4 =	vsub.s32 v3, v2  }
0x22: {  	v3 =	vand.u32 $0xF, v3;
	v19 =	vsub.s32 v5, v2;
	v20 =	vsub.s32 v6, v2  }
0x23: {  	v23 =	vand.u32 $0xF, v5;
	v5 =	vsub.s32 v12, v2;
	v13 =	vand.u32 $0xF, v6  }
0x24: {  	v9 =	vsub.s32 v16, v2;
	v15 =	vand.u32 $0xF, v10;
	v24 =	vsub.s32 v14, v2  }
0x25: {  	v11 =	vsub.s32 v17, v2;
	vm1 =	vlt.u32 v4, $0x1C000;
	v4 =	vand.u32 $0xFFFFFFF0, v4  }
0x26: {  	v6 =	vand.u32 $0xF, v14;
	v18 =	vand.u32 $0xF, v12;
	v21 =	vor.u32 v3, v4  }
0x27: {  	v16 =	vand.u32 $0xF, v16;
	v17 =	vand.u32 $0xF, v17;
	v22 =	vand.u32 $0xFFFFFFF0, v19  }
0x28: {  	v8 =	vand.u32 $0xFFFFFFF0, v5;
	v14 =	vand.u32 $0xFFFFFFF0, v24;
	vm0 =	vlt.u32 v24, $0x1C000  }
0x29: {  	vm2 =	vlt.u32 v19, $0x1C000;
	v3 =	vand.u32 $0xFFFFFFF0, v20;
	v4 =	vsub.s32 v10, v2  }
0x2a: {  	v10 =	vand.u32 $0xFFFFFFF0, v9;
	v6 =	vor.u32 v6, v14;
	v14 =	vand.u32 $0xFFFFFFF0, v11  }
0x2b: {  	s15 =	simm.s32 $0x1C0C0;
	s14 =	simm.s32 $0x0;
	v12 =	vor.u32 v23, v22;
	v7 =	vand.u32 $0xFFFFFFF0, v4;
	[tilespmem:v21+s1+$0x0] =	vst.idx.add.f32.msk vm1, v1;
	vm1 =	vlt.u32 v20, $0x1C000  }
.LBB2_6:
0x2c: {  	v19 =	vld [tilespmem:s15+$0x30];
	s14 =	sadd.s32 $0x8, s14;
	v20 =	vor.u32 v13, v3;
	vm6 =	vlt.u32 v4, $0x1C000;
	v21 =	vor.u32 v15, v7  }
0x2d: {  	vm5 =	vlt.u32 v5, $0x1C000;
	v22 =	vor.u32 v18, v8;
	vm4 =	vlt.u32 v9, $0x1C000;
	v7 =	vld [tilespmem:s15+$0xFFFFFFD0];
	p0 =	slt.u32 s14, $0x3E0  }
0x2e: {  	v23 =	vor.u32 v16, v10;
	vm3 =	vlt.u32 v11, $0x1C000;
	v24 =	vor.u32 v17, v14;
	v8 =	vld [tilespmem:s15+$0xFFFFFFE0]  }
0x2f: {  	v10 =	vld [tilespmem:s15+$0xFFFFFFF0]  }
0x30: {  	v16 =	vld [tilespmem:s15+$0x0]  }
0x31: {  	v17 =	vld [tilespmem:s15+$0x10];
	v3 =	vsub.s32 v19, v2  }
0x32: {  	v4 =	vand.u32 $0xF, v19;
	v25 =	vld [tilespmem:s15+$0x20];
	vm7 =	vlt.u32 v3, $0x1C000;
	v3 =	vand.u32 $0xFFFFFFF0, v3  }
0x33: {  	v19 =	vsub.s32 v7, v2;
	v14 =	vld [tilespmem:s15+$0xFFFFFFC0];
	v26 =	vsub.s32 v8, v2;
	v18 =	vor.u32 v4, v3  }
0x34: {  	v27 =	vand.u32 $0xFFFFFFF0, v19;
	v3 =	vand.u32 $0xFFFFFFF0, v26;
	v4 =	vsub.s32 v10, v2;
	[tilespmem:v6+s1+$0x0] =	vst.idx.add.f32.msk vm0, v1  }
0x35: {  	v28 =	vand.u32 $0xF, v7;
	v7 =	vand.u32 $0xFFFFFFF0, v4;
	v5 =	vsub.s32 v16, v2;
	[tilespmem:v12+s1+$0x0] =	vst.idx.add.f32.msk vm2, v1  }
0x36: {  	v13 =	vand.u32 $0xF, v8;
	v8 =	vand.u32 $0xFFFFFFF0, v5;
	v9 =	vsub.s32 v17, v2;
	[tilespmem:v20+s1+$0x0] =	vst.idx.add.f32.msk vm1, v1  }
.Ltmp1:
0x37: {  	v15 =	vand.u32 $0xF, v10;
	v10 =	vand.u32 $0xFFFFFFF0, v9;
	v11 =	vsub.s32 v25, v2;
	[tilespmem:v21+s1+$0x0] =	vst.idx.add.f32.msk vm6, v1;
	(pc) =	sbr.rel @p0 .LBB2_6-.Ltmp1, $4  }
0x38: {  	v6 =	vsub.s32 v14, v2;
	v12 =	vand.u32 $0xF, v14;
	v14 =	vand.u32 $0xFFFFFFF0, v11;
	[tilespmem:v18+s1+$0x0] =	vst.idx.add.f32.msk vm7, v1  }
0x39: {  	v18 =	vand.u32 $0xF, v16;
	v16 =	vand.u32 $0xF, v17;
	v20 =	vand.u32 $0xFFFFFFF0, v6;
	[tilespmem:v22+s1+$0x0] =	vst.idx.add.f32.msk vm5, v1  }
0x3a: {  	v17 =	vand.u32 $0xF, v25;
	vm0 =	vlt.u32 v6, $0x1C000;
	v6 =	vor.u32 v12, v20;
	[tilespmem:v23+s1+$0x0] =	vst.idx.add.f32.msk vm4, v1  }
0x3b: {  	s15 =	sadd.s32 $0x80, s15;
	vm2 =	vlt.u32 v19, $0x1C000;
	vm1 =	vlt.u32 v26, $0x1C000;
	v12 =	vor.u32 v28, v27;
	[tilespmem:v24+s1+$0x0] =	vst.idx.add.f32.msk vm3, v1  }
0x3c: {  	_ =	sdelay $0x1  }
0x3d: {  	v3 =	vor.u32 v13, v3;
	vm3 =	vlt.u32 v4, $0x1C000  }
0x3e: {  	v60 =	vor.u32 v15, v7;
	vm4 =	vlt.u32 v5, $0x1C000  }
0x3f: {  	v61 =	vor.u32 v18, v8;
	vm5 =	vlt.u32 v9, $0x1C000  }
0x40: {  	v62 =	vor.u32 v16, v10;
	vm6 =	vlt.u32 v11, $0x1C000;
	[tilespmem:v6+s1+$0x0] =	vst.idx.add.f32.msk vm0, v1;
	s13 =	sadd.s32 $0x1, s13  }
0x41: {  	v63 =	vor.u32 v17, v14;
	[tilespmem:v12+s1+$0x0] =	vst.idx.add.f32.msk vm2, v1;
	p0 =	sne.s32 s13, $0x32  }
.Ltmp2:
0x42: {  	[tilespmem:v3+s1+$0x0] =	vst.idx.add.f32.msk vm1, v1;
	(pc) =	sbr.rel @p0 .LBB2_5-.Ltmp2, $4  }
0x43: {  	[tilespmem:v60+s1+$0x0] =	vst.idx.add.f32.msk vm3, v1  }
0x44: {  	[tilespmem:v61+s1+$0x0] =	vst.idx.add.f32.msk vm4, v1  }
0x45: {  	[tilespmem:v62+s1+$0x0] =	vst.idx.add.f32.msk vm5, v1  }
0x46: {  	[tilespmem:v63+s1+$0x0] =	vst.idx.add.f32.msk vm6, v1  }
0x47: {  	s12 =	smul.u32 $0x3800, s12;
	s11 =	sadd.s32 $0x1, s11  }
0x48: {  	p0 =	sne.s32 s11, $0x7  }
.Ltmp3:
0x49: {  	s12 =	sadd.s32 s5, s12;
	(pc) =	sbr.rel @p0 .LBB2_2-.Ltmp3, $4  }
0x4a: {  	[hbm4b:s12+s1] =	stream.linear.scatter [tilespmem:s1], [sflag:$0x1], $0x1C000, $0x38;
	[tilespmem:$0x1FE80] =	vst v63  }
0x4b: {  	_ =	swait.ge [sflag:s9], $0x1C000  }
0x4c: {  	[sflag:s9] =	ssyncset.done $0x0  }
0x4d: {  	[sflag:s9] =	ssyncadd.s32 $0xFFFE4000  }
0x4e: {  	s10 =	sadd.s32 $0x1, s10  }
0x4f: {  	p0 =	sne.s32 s10, s7  }
.Ltmp4:
0x50: {  	_ = 	snop;
	(pc) =	sbr.rel @p0 .LBB2_1-.Ltmp4, $1  }
0x51: {  	_ =	sdelay $0x3  }
0x52: {  	_ =	sfence.sel $0x180000  }
0x53: {  	[bflag:$0x0] =	sbarrier.arrive $0xFFFF  }
0x54: {  	p0 =	sne.s32 s3, $0x0;
	_ =	strace $0x9000004A  }
0x55: {  	s0 =	sadd.s32 @!p0 $0x100000, s0;
	[bflag:$0x2] =	sbarrier.arrive $0xFFFF  }
0x56: {  	[sflag:s0] =	ssyncadd.tile.s32 @!p0 $0x1;
	_ =	shalt  }
.Lfunc_end2:
_tile_overlayer_lowered:
.L_overlay_start_2:
0x57: {  	(tag) =	ssettag $0x2  }
0x58: {  	s0 =	rddreg [dreg:$0x0];
	s2 =	stileid.u32  }
0x59: {  	s1 =	rddreg [dreg:$0x1];
	p0 =	sne.s32 s2, $0x0  }
0x5a: {  	s3 =	rddreg [dreg:$0x2];
	[bflag:$0x3] =	sbarrier.arrive $0xFFFF;
	s2 =	simm.s32 @!p0 $0x1C01  }
0x5b: {  	[timem:s3], [sflag:s2] =	dma.local @!p0 [hbm:s0], s1  }
0x5c: {  	s0 =	simm.s32 @!p0 $0x1  }
0x5d: {  	_ =	swait.ge @!p0 [sflag:s0], s1  }
0x5e: {  	s1 =	ssub.s32 @!p0 $0x0, s1;
	[sflag:s0] =	ssyncset.done @!p0 $0x0  }
0x5f: {  	[sflag:s0] =	ssyncadd.s32 @!p0 s1  }
0x60: {  	[bflag:$0x3] =	sbarrier.arrive $0xFFFF  }
0x61: {  	_ =	shalt  }

</sc_bundles>
